<compile_context>
chip_gen: v7x
topology: tpu7x:2x2x1
jax: 0.10.2.dev20260603
libtpu: 0.0.44.dev20260713+nightly
codegen_flags: <defaults>
</compile_context>

<pallas_src>
import functools

import jax
import jax.numpy as jnp
from jax import lax
from jax.experimental import pallas as pl
from jax.experimental.pallas import tpu as pltpu
from jax.experimental.pallas import tpu_sc as plsc

M = 1000000
B = 16384
D = 32
H1 = 64
H2 = 32

RB = 8192
G = 31
S = RB * G

NC = 2
NS = 16
NW = NC * NS
BPW = B // NW
CH = 128
NCH = BPW // CH

BLK = 4096


def _round_bf16(u):
  return (u + jnp.uint32(0x7FFF) + ((u >> jnp.uint32(16)) & jnp.uint32(1))
          ) >> jnp.uint32(16)


def _relayout_body(u0, u1, u2, u3, b0, b1, b2, b3, out_ref):
  cat_u = jnp.concatenate(
      [u0[...], u1[...], u2[...], u3[...]], axis=0)
  cat_b = jnp.concatenate(
      [b0[...], b1[...], b2[...], b3[...]], axis=0)
  bu = _round_bf16(lax.bitcast_convert_type(cat_u.T, jnp.uint32))
  bb = _round_bf16(lax.bitcast_convert_type(cat_b.T, jnp.uint32))
  packed = bu | (bb << jnp.uint32(16))
  out_ref[...] = lax.bitcast_convert_type(packed, jnp.float32)


def _tc_relayout(ttu, ttb):
  specs = [pl.BlockSpec(
      (32, RB),
      lambda g, k=k: (0, jnp.minimum((k * S) // RB + g, M // RB)))
      for k in range(4)]
  return pl.pallas_call(
      _relayout_body,
      grid=(G,),
      in_specs=specs + specs,
      out_specs=pl.BlockSpec((RB, 128), lambda g: (g, 0)),
      out_shape=jax.ShapeDtypeStruct((S, 128), jnp.float32),
  )(ttu, ttu, ttu, ttu, ttb, ttb, ttb, ttb)


def _sc_gather(pu2d, pb2d, lin):
  mesh = plsc.VectorSubcoreMesh(core_axis_name="c", subcore_axis_name="s")

  @functools.partial(
      pl.kernel,
      out_type=(
          jax.ShapeDtypeStruct((B, 128), jnp.float32),
          jax.ShapeDtypeStruct((B, 128), jnp.float32),
      ),
      mesh=mesh,
      compiler_params=pltpu.CompilerParams(use_tc_tiling_on_sc=False),
      scratch_types=[
          pltpu.VMEM((NCH, CH), jnp.int32),
          pltpu.VMEM((NCH, CH), jnp.int32),
          pltpu.VMEM((BPW, 128), jnp.float32),
          pltpu.SemaphoreType.DMA,
      ],
  )
  def gather_kernel(pu_hbm, pb_hbm, lin_hbm, xu_hbm, xb_hbm,
                    uidx_v, bidx_v, rows_v, sem):
    wid = lax.axis_index("s") * NC + lax.axis_index("c")
    base = wid * BPW
    pltpu.sync_copy(pu_hbm.at[pl.ds(wid * NCH, NCH)], uidx_v)
    pltpu.sync_copy(pb_hbm.at[pl.ds(wid * NCH, NCH)], bidx_v)
    ucps = [
        pltpu.async_copy(lin_hbm.at[uidx_v.at[j]],
                         rows_v.at[pl.ds(j * CH, CH)], sem)
        for j in range(NCH)
    ]
    for c in ucps:
      c.wait()
    pltpu.sync_copy(rows_v, xu_hbm.at[pl.ds(base, BPW)])
    bcps = [
        pltpu.async_copy(lin_hbm.at[bidx_v.at[j]],
                         rows_v.at[pl.ds(j * CH, CH)], sem)
        for j in range(NCH)
    ]
    for c in bcps:
      c.wait()
    pltpu.sync_copy(rows_v, xb_hbm.at[pl.ds(base, BPW)])

  return gather_kernel(pu2d, pb2d, lin)


def _mlp_body(xu_ref, xb_ref, mu_ref, mb_ref, w1u_ref, w1b_ref, b1_ref,
              w2t_ref, b2_ref, o_ref):
  uu = lax.bitcast_convert_type(xu_ref[...], jnp.uint32)
  ub = lax.bitcast_convert_type(xb_ref[...], jnp.uint32)
  xu_vals = lax.bitcast_convert_type(uu << jnp.uint32(16), jnp.float32)
  xb_vals = lax.bitcast_convert_type(ub & jnp.uint32(0xFFFF0000), jnp.float32)
  xu = jnp.where(mu_ref[...] != 0, xu_vals, 0.0)
  xb = jnp.where(mb_ref[...] != 0, xb_vals, 0.0)
  h = lax.dot_general(xu, w1u_ref[...], (((1,), (0,)), ((), ())),
                      preferred_element_type=jnp.float32)
  h = h + lax.dot_general(xb, w1b_ref[...], (((1,), (0,)), ((), ())),
                          preferred_element_type=jnp.float32)
  h = jnp.maximum(h + b1_ref[...], 0.0)
  o = lax.dot_general(h, w2t_ref[...], (((1,), (0,)), ((), ())),
                      preferred_element_type=jnp.float32)
  o_ref[...] = jnp.maximum(o + b2_ref[...], 0.0)


def _tc_mlp(xu, xb, mu, mb, w1u4t, w1b4t, b1r, w2t, b2r):
  grid = (B // BLK,)
  return pl.pallas_call(
      _mlp_body,
      grid=grid,
      in_specs=[
          pl.BlockSpec((BLK, 128), lambda i: (i, 0)),
          pl.BlockSpec((BLK, 128), lambda i: (i, 0)),
          pl.BlockSpec((BLK, 128), lambda i: (i, 0)),
          pl.BlockSpec((BLK, 128), lambda i: (i, 0)),
          pl.BlockSpec((128, H1), lambda i: (0, 0)),
          pl.BlockSpec((128, H1), lambda i: (0, 0)),
          pl.BlockSpec((1, H1), lambda i: (0, 0)),
          pl.BlockSpec((H1, H2), lambda i: (0, 0)),
          pl.BlockSpec((1, H2), lambda i: (0, 0)),
      ],
      out_specs=pl.BlockSpec((BLK, H2), lambda i: (i, 0)),
      out_shape=jax.ShapeDtypeStruct((B, H2), jnp.float32),
  )(xu, xb, mu, mb, w1u4t, w1b4t, b1r, w2t, b2r)


def _split(idx):
  idx = idx.astype(jnp.int32)
  k = ((idx >= S).astype(jnp.int32) + (idx >= 2 * S).astype(jnp.int32)
       + (idx >= 3 * S).astype(jnp.int32))
  p = idx - k * S
  off = (k * D).reshape(B, 1)
  lanes = jnp.arange(128, dtype=jnp.int32)[None, :]
  mask = ((lanes >= off) & (lanes < off + D)).astype(jnp.int8)
  return p.reshape(NW * NCH, CH), mask


def kernel(user_id, book_id, user_table, book_table, W1, b1, W2, b2):
  pu2d, mu = _split(user_id)
  pb2d, mb = _split(book_id)
  lin = _tc_relayout(user_table.T, book_table.T)
  xu, xb = _sc_gather(pu2d, pb2d, lin)
  w1u4t = jnp.tile(W1[:, :D], (1, 4)).T
  w1b4t = jnp.tile(W1[:, D:], (1, 4)).T
  return _tc_mlp(xu, xb, mu, mb, w1u4t, w1b4t, b1.reshape(1, H1),
                 W2.T, b2.reshape(1, H2))

# --- scband reference (transcript-rebuilt; emitter-appended) ---
"""Pipeline reference for scband-mlpmodel-12103217840634 (READ-ONLY COPY).

The authoritative reference and input builder live on the scoring server;
editing this copy changes nothing except your own understanding.
"""

import jax, jax.numpy as jnp
import numpy as np

M = 1000000
N = 1000000
D = 32
B = 16384
H1 = 64
H2 = 32

def setup_inputs(seed: int = 0) -> dict:
    key = jax.random.key(seed)
    k1, k2, k3, k4, k5, k6, k7, k8 = jax.random.split(key, 8)
    user_id = jax.random.randint(k1, (B,), 0, M, dtype=jnp.int64 if jax.config.jax_enable_x64 else jnp.int32)
    book_id = jax.random.randint(k2, (B,), 0, N, dtype=jnp.int64 if jax.config.jax_enable_x64 else jnp.int32)
    user_table = jax.random.uniform(k3, (M, D), dtype=jnp.float32)
    book_table = jax.random.uniform(k4, (N, D), dtype=jnp.float32)
    W1 = jax.random.normal(k5, (H1, 2 * D), dtype=jnp.float32) * (1.0 / np.sqrt(2 * D))
    b1 = jnp.zeros((H1,), dtype=jnp.float32)
    W2 = jax.random.normal(k6, (H2, H1), dtype=jnp.float32) * (1.0 / np.sqrt(H1))
    b2 = jnp.zeros((H2,), dtype=jnp.float32)
    return {"user_id": user_id, "book_id": book_id, "user_table": user_table, "book_table": book_table, "W1": W1, "b1": b1, "W2": W2, "b2": b2}

def reference(user_id, book_id, user_table, book_table, W1, b1, W2, b2):
    user_embedded = jnp.take(user_table, user_id, axis=0)
    book_embedded = jnp.take(book_table, book_id, axis=0)
    x = jnp.concatenate([user_embedded, book_embedded], axis=-1)
    x = jax.nn.relu(x @ W1.T + b1)
    x = jax.nn.relu(x @ W2.T + b2)
    x = jnp.squeeze(x)
    return x

if __name__ == "__main__":
    import jax
    _d = setup_inputs()
    print(jax.jit(kernel)(*tuple(_d.values())))

</pallas_src>

<mosaic_0001>
#map = affine_map<(d0, d1) -> (0, 0)>
module attributes {stable_mosaic.version = 14 : i64} {
  func.func @gather_kernel(%arg0: i32, %arg1: i32, %arg2: memref<128x128xi32, #tpu.memory_space<hbm>>, %arg3: memref<128x128xi32, #tpu.memory_space<hbm>>, %arg4: memref<253952x128xf32, #tpu.memory_space<hbm>>, %arg5: memref<16384x128xf32, #tpu.memory_space<hbm>>, %arg6: memref<16384x128xf32, #tpu.memory_space<hbm>>, %arg7: memref<4x128xi32, #tpu.memory_space<vmem>>, %arg8: memref<4x128xi32, #tpu.memory_space<vmem>>, %arg9: memref<512x128xf32, #tpu.memory_space<vmem>>, %arg10: memref<!tpu.dma_semaphore, #tpu.memory_space<semaphore_mem>>) attributes {dimension_semantics = [#tpu.dimension_semantics<core_parallel>, #tpu.dimension_semantics<subcore_parallel>], iteration_bounds = array<i64: 2, 16>, scalar_prefetch = 0 : i64, scratch_operands = 4 : i64, tpu.core_type = #tpu.core_type<sc_vector_subcore>, window_params = [{transform_indices = #map}, {transform_indices = #map}, {transform_indices = #map}, {transform_indices = #map}, {transform_indices = #map}]} {
    %mul3A = arith.constant 2 : i32
    %mul3A_0 = arith.muli %arg1, %mul3A : i32
    %add3A = arith.addi %mul3A_0, %arg0 : i32
    %mul3A_1 = arith.constant 512 : i32
    %mul3A_2 = arith.muli %add3A, %mul3A_1 : i32
    %mul3A_3 = arith.constant 4 : i32
    %mul3A_4 = arith.muli %add3A, %mul3A_3 : i32
    "tpu.region"() ({
      %run_scoped3A = tpu.sem_alloc : memref<!tpu.dma_semaphore, #tpu.memory_space<semaphore_mem>>
      %dma_start3A_165 = arith.constant 0 : i32
      %dma_start3A_166 = tpu.memref_slice %arg2[%mul3A_4, %dma_start3A_165] : memref<128x128xi32, #tpu.memory_space<hbm>> -> memref<4x128xi32, #tpu.memory_space<hbm>>
      %dma_start3A_167 = arith.constant 0 : i32
      %dma_start3A_168 = tpu.memref_slice %arg2[%mul3A_4, %dma_start3A_167] : memref<128x128xi32, #tpu.memory_space<hbm>> -> memref<4x128xi32, #tpu.memory_space<hbm>>
      tpu.enqueue_dma source(%dma_start3A_168 : memref<4x128xi32, #tpu.memory_space<hbm>>) target(%arg7 : memref<4x128xi32, #tpu.memory_space<vmem>>) target_semaphore(%run_scoped3A : memref<!tpu.dma_semaphore, #tpu.memory_space<semaphore_mem>>)
      %dma_wait3A_169 = arith.constant 0 : i32
      %dma_wait3A_170 = tpu.memref_slice %arg2[%mul3A_4, %dma_wait3A_169] : memref<128x128xi32, #tpu.memory_space<hbm>> -> memref<4x128xi32, #tpu.memory_space<hbm>>
      %dma_wait3A_171 = arith.constant 0 : i32
      %dma_wait3A_172 = tpu.memref_slice %arg2[%mul3A_4, %dma_wait3A_171] : memref<128x128xi32, #tpu.memory_space<hbm>> -> memref<4x128xi32, #tpu.memory_space<hbm>>
      tpu.wait_dma2 semaphore(%run_scoped3A : memref<!tpu.dma_semaphore, #tpu.memory_space<semaphore_mem>>) src(%dma_wait3A_172 : memref<4x128xi32, #tpu.memory_space<hbm>>) dst(%arg7 : memref<4x128xi32, #tpu.memory_space<vmem>>)
      tpu.yield
    }) : () -> ()
    %mul3A_5 = arith.constant 4 : i32
    %mul3A_6 = arith.muli %add3A, %mul3A_5 : i32
    "tpu.region"() ({
      %run_scoped3A = tpu.sem_alloc : memref<!tpu.dma_semaphore, #tpu.memory_space<semaphore_mem>>
      %dma_start3A_165 = arith.constant 0 : i32
      %dma_start3A_166 = tpu.memref_slice %arg3[%mul3A_6, %dma_start3A_165] : memref<128x128xi32, #tpu.memory_space<hbm>> -> memref<4x128xi32, #tpu.memory_space<hbm>>
      %dma_start3A_167 = arith.constant 0 : i32
      %dma_start3A_168 = tpu.memref_slice %arg3[%mul3A_6, %dma_start3A_167] : memref<128x128xi32, #tpu.memory_space<hbm>> -> memref<4x128xi32, #tpu.memory_space<hbm>>
      tpu.enqueue_dma source(%dma_start3A_168 : memref<4x128xi32, #tpu.memory_space<hbm>>) target(%arg8 : memref<4x128xi32, #tpu.memory_space<vmem>>) target_semaphore(%run_scoped3A : memref<!tpu.dma_semaphore, #tpu.memory_space<semaphore_mem>>)
      %dma_wait3A_169 = arith.constant 0 : i32
      %dma_wait3A_170 = tpu.memref_slice %arg3[%mul3A_6, %dma_wait3A_169] : memref<128x128xi32, #tpu.memory_space<hbm>> -> memref<4x128xi32, #tpu.memory_space<hbm>>
      %dma_wait3A_171 = arith.constant 0 : i32
      %dma_wait3A_172 = tpu.memref_slice %arg3[%mul3A_6, %dma_wait3A_171] : memref<128x128xi32, #tpu.memory_space<hbm>> -> memref<4x128xi32, #tpu.memory_space<hbm>>
      tpu.wait_dma2 semaphore(%run_scoped3A : memref<!tpu.dma_semaphore, #tpu.memory_space<semaphore_mem>>) src(%dma_wait3A_172 : memref<4x128xi32, #tpu.memory_space<hbm>>) dst(%arg8 : memref<4x128xi32, #tpu.memory_space<vmem>>)
      tpu.yield
    }) : () -> ()
    %dma_start3A = arith.constant 0 : i32
    %dma_start3A_7 = arith.constant 0 : i32
    %dma_start3A_8 = arith.constant 0 : i32
    %dma_start3A_9 = tpu.memref_slice %arg9[%dma_start3A_7, %dma_start3A_8] : memref<512x128xf32, #tpu.memory_space<vmem>> -> memref<128x128xf32, #tpu.memory_space<vmem>>
    %dma_start3A_10 = arith.constant 0 : i32
    %dma_start3A_11 = tpu.memref_slice %arg7[%dma_start3A, %dma_start3A_10] : memref<4x128xi32, #tpu.memory_space<vmem>> -> memref<1x128xi32, #tpu.memory_space<vmem>>
    %dma_start3A_12 = tpu.memref_squeeze %dma_start3A_11 : memref<1x128xi32, #tpu.memory_space<vmem>> -> memref<128xi32, #tpu.memory_space<vmem>>
    %dma_start3A_13 = arith.constant 0 : i32
    %dma_start3A_14 = arith.constant 0 : i32
    %dma_start3A_15 = tpu.memref_slice %arg4[%dma_start3A_13, %dma_start3A_14] : memref<253952x128xf32, #tpu.memory_space<hbm>> -> memref<253952x128xf32, #tpu.memory_space<hbm>>
    tpu.enqueue_indirect_dma source(%dma_start3A_15 : memref<253952x128xf32, #tpu.memory_space<hbm>>) target(%dma_start3A_9 : memref<128x128xf32, #tpu.memory_space<vmem>>) offsets(%dma_start3A_12 : memref<128xi32, #tpu.memory_space<vmem>>) semaphore(%arg10 : memref<!tpu.dma_semaphore, #tpu.memory_space<semaphore_mem>>)
    %dma_start3A_16 = arith.constant 1 : i32
    %dma_start3A_17 = arith.constant 128 : i32
    %dma_start3A_18 = arith.constant 0 : i32
    %dma_start3A_19 = tpu.memref_slice %arg9[%dma_start3A_17, %dma_start3A_18] : memref<512x128xf32, #tpu.memory_space<vmem>> -> memref<128x128xf32, #tpu.memory_space<vmem>>
    %dma_start3A_20 = arith.constant 0 : i32
    %dma_start3A_21 = tpu.memref_slice %arg7[%dma_start3A_16, %dma_start3A_20] : memref<4x128xi32, #tpu.memory_space<vmem>> -> memref<1x128xi32, #tpu.memory_space<vmem>>
    %dma_start3A_22 = tpu.memref_squeeze %dma_start3A_21 : memref<1x128xi32, #tpu.memory_space<vmem>> -> memref<128xi32, #tpu.memory_space<vmem>>
    %dma_start3A_23 = arith.constant 0 : i32
    %dma_start3A_24 = arith.constant 0 : i32
    %dma_start3A_25 = tpu.memref_slice %arg4[%dma_start3A_23, %dma_start3A_24] : memref<253952x128xf32, #tpu.memory_space<hbm>> -> memref<253952x128xf32, #tpu.memory_space<hbm>>
    tpu.enqueue_indirect_dma source(%dma_start3A_25 : memref<253952x128xf32, #tpu.memory_space<hbm>>) target(%dma_start3A_19 : memref<128x128xf32, #tpu.memory_space<vmem>>) offsets(%dma_start3A_22 : memref<128xi32, #tpu.memory_space<vmem>>) semaphore(%arg10 : memref<!tpu.dma_semaphore, #tpu.memory_space<semaphore_mem>>)
    %dma_start3A_26 = arith.constant 2 : i32
    %dma_start3A_27 = arith.constant 256 : i32
    %dma_start3A_28 = arith.constant 0 : i32
    %dma_start3A_29 = tpu.memref_slice %arg9[%dma_start3A_27, %dma_start3A_28] : memref<512x128xf32, #tpu.memory_space<vmem>> -> memref<128x128xf32, #tpu.memory_space<vmem>>
    %dma_start3A_30 = arith.constant 0 : i32
    %dma_start3A_31 = tpu.memref_slice %arg7[%dma_start3A_26, %dma_start3A_30] : memref<4x128xi32, #tpu.memory_space<vmem>> -> memref<1x128xi32, #tpu.memory_space<vmem>>
    %dma_start3A_32 = tpu.memref_squeeze %dma_start3A_31 : memref<1x128xi32, #tpu.memory_space<vmem>> -> memref<128xi32, #tpu.memory_space<vmem>>
    %dma_start3A_33 = arith.constant 0 : i32
    %dma_start3A_34 = arith.constant 0 : i32
    %dma_start3A_35 = tpu.memref_slice %arg4[%dma_start3A_33, %dma_start3A_34] : memref<253952x128xf32, #tpu.memory_space<hbm>> -> memref<253952x128xf32, #tpu.memory_space<hbm>>
    tpu.enqueue_indirect_dma source(%dma_start3A_35 : memref<253952x128xf32, #tpu.memory_space<hbm>>) target(%dma_start3A_29 : memref<128x128xf32, #tpu.memory_space<vmem>>) offsets(%dma_start3A_32 : memref<128xi32, #tpu.memory_space<vmem>>) semaphore(%arg10 : memref<!tpu.dma_semaphore, #tpu.memory_space<semaphore_mem>>)
    %dma_start3A_36 = arith.constant 3 : i32
    %dma_start3A_37 = arith.constant 384 : i32
    %dma_start3A_38 = arith.constant 0 : i32
    %dma_start3A_39 = tpu.memref_slice %arg9[%dma_start3A_37, %dma_start3A_38] : memref<512x128xf32, #tpu.memory_space<vmem>> -> memref<128x128xf32, #tpu.memory_space<vmem>>
    %dma_start3A_40 = arith.constant 0 : i32
    %dma_start3A_41 = tpu.memref_slice %arg7[%dma_start3A_36, %dma_start3A_40] : memref<4x128xi32, #tpu.memory_space<vmem>> -> memref<1x128xi32, #tpu.memory_space<vmem>>
    %dma_start3A_42 = tpu.memref_squeeze %dma_start3A_41 : memref<1x128xi32, #tpu.memory_space<vmem>> -> memref<128xi32, #tpu.memory_space<vmem>>
    %dma_start3A_43 = arith.constant 0 : i32
    %dma_start3A_44 = arith.constant 0 : i32
    %dma_start3A_45 = tpu.memref_slice %arg4[%dma_start3A_43, %dma_start3A_44] : memref<253952x128xf32, #tpu.memory_space<hbm>> -> memref<253952x128xf32, #tpu.memory_space<hbm>>
    tpu.enqueue_indirect_dma source(%dma_start3A_45 : memref<253952x128xf32, #tpu.memory_space<hbm>>) target(%dma_start3A_39 : memref<128x128xf32, #tpu.memory_space<vmem>>) offsets(%dma_start3A_42 : memref<128xi32, #tpu.memory_space<vmem>>) semaphore(%arg10 : memref<!tpu.dma_semaphore, #tpu.memory_space<semaphore_mem>>)
    %dma_wait3A = arith.constant 0 : i32
    %dma_wait3A_46 = arith.constant 0 : i32
    %dma_wait3A_47 = arith.constant 0 : i32
    %dma_wait3A_48 = tpu.memref_slice %arg9[%dma_wait3A_46, %dma_wait3A_47] : memref<512x128xf32, #tpu.memory_space<vmem>> -> memref<128x128xf32, #tpu.memory_space<vmem>>
    %dma_wait3A_49 = arith.constant 0 : i32
    %dma_wait3A_50 = tpu.memref_slice %arg7[%dma_wait3A, %dma_wait3A_49] : memref<4x128xi32, #tpu.memory_space<vmem>> -> memref<1x128xi32, #tpu.memory_space<vmem>>
    %dma_wait3A_51 = tpu.memref_squeeze %dma_wait3A_50 : memref<1x128xi32, #tpu.memory_space<vmem>> -> memref<128xi32, #tpu.memory_space<vmem>>
    %dma_wait3A_52 = arith.constant 0 : i32
    %dma_wait3A_53 = arith.constant 0 : i32
    %dma_wait3A_54 = tpu.memref_slice %arg4[%dma_wait3A_52, %dma_wait3A_53] : memref<253952x128xf32, #tpu.memory_space<hbm>> -> memref<253952x128xf32, #tpu.memory_space<hbm>>
    tpu.wait_indirect_dma semaphore(%arg10 : memref<!tpu.dma_semaphore, #tpu.memory_space<semaphore_mem>>) src(%dma_wait3A_54 : memref<253952x128xf32, #tpu.memory_space<hbm>>) dst(%dma_wait3A_48 : memref<128x128xf32, #tpu.memory_space<vmem>>)
    %dma_wait3A_55 = arith.constant 1 : i32
    %dma_wait3A_56 = arith.constant 128 : i32
    %dma_wait3A_57 = arith.constant 0 : i32
    %dma_wait3A_58 = tpu.memref_slice %arg9[%dma_wait3A_56, %dma_wait3A_57] : memref<512x128xf32, #tpu.memory_space<vmem>> -> memref<128x128xf32, #tpu.memory_space<vmem>>
    %dma_wait3A_59 = arith.constant 0 : i32
    %dma_wait3A_60 = tpu.memref_slice %arg7[%dma_wait3A_55, %dma_wait3A_59] : memref<4x128xi32, #tpu.memory_space<vmem>> -> memref<1x128xi32, #tpu.memory_space<vmem>>
    %dma_wait3A_61 = tpu.memref_squeeze %dma_wait3A_60 : memref<1x128xi32, #tpu.memory_space<vmem>> -> memref<128xi32, #tpu.memory_space<vmem>>
    %dma_wait3A_62 = arith.constant 0 : i32
    %dma_wait3A_63 = arith.constant 0 : i32
    %dma_wait3A_64 = tpu.memref_slice %arg4[%dma_wait3A_62, %dma_wait3A_63] : memref<253952x128xf32, #tpu.memory_space<hbm>> -> memref<253952x128xf32, #tpu.memory_space<hbm>>
    tpu.wait_indirect_dma semaphore(%arg10 : memref<!tpu.dma_semaphore, #tpu.memory_space<semaphore_mem>>) src(%dma_wait3A_64 : memref<253952x128xf32, #tpu.memory_space<hbm>>) dst(%dma_wait3A_58 : memref<128x128xf32, #tpu.memory_space<vmem>>)
    %dma_wait3A_65 = arith.constant 2 : i32
    %dma_wait3A_66 = arith.constant 256 : i32
    %dma_wait3A_67 = arith.constant 0 : i32
    %dma_wait3A_68 = tpu.memref_slice %arg9[%dma_wait3A_66, %dma_wait3A_67] : memref<512x128xf32, #tpu.memory_space<vmem>> -> memref<128x128xf32, #tpu.memory_space<vmem>>
    %dma_wait3A_69 = arith.constant 0 : i32
    %dma_wait3A_70 = tpu.memref_slice %arg7[%dma_wait3A_65, %dma_wait3A_69] : memref<4x128xi32, #tpu.memory_space<vmem>> -> memref<1x128xi32, #tpu.memory_space<vmem>>
    %dma_wait3A_71 = tpu.memref_squeeze %dma_wait3A_70 : memref<1x128xi32, #tpu.memory_space<vmem>> -> memref<128xi32, #tpu.memory_space<vmem>>
    %dma_wait3A_72 = arith.constant 0 : i32
    %dma_wait3A_73 = arith.constant 0 : i32
    %dma_wait3A_74 = tpu.memref_slice %arg4[%dma_wait3A_72, %dma_wait3A_73] : memref<253952x128xf32, #tpu.memory_space<hbm>> -> memref<253952x128xf32, #tpu.memory_space<hbm>>
    tpu.wait_indirect_dma semaphore(%arg10 : memref<!tpu.dma_semaphore, #tpu.memory_space<semaphore_mem>>) src(%dma_wait3A_74 : memref<253952x128xf32, #tpu.memory_space<hbm>>) dst(%dma_wait3A_68 : memref<128x128xf32, #tpu.memory_space<vmem>>)
    %dma_wait3A_75 = arith.constant 3 : i32
    %dma_wait3A_76 = arith.constant 384 : i32
    %dma_wait3A_77 = arith.constant 0 : i32
    %dma_wait3A_78 = tpu.memref_slice %arg9[%dma_wait3A_76, %dma_wait3A_77] : memref<512x128xf32, #tpu.memory_space<vmem>> -> memref<128x128xf32, #tpu.memory_space<vmem>>
    %dma_wait3A_79 = arith.constant 0 : i32
    %dma_wait3A_80 = tpu.memref_slice %arg7[%dma_wait3A_75, %dma_wait3A_79] : memref<4x128xi32, #tpu.memory_space<vmem>> -> memref<1x128xi32, #tpu.memory_space<vmem>>
    %dma_wait3A_81 = tpu.memref_squeeze %dma_wait3A_80 : memref<1x128xi32, #tpu.memory_space<vmem>> -> memref<128xi32, #tpu.memory_space<vmem>>
    %dma_wait3A_82 = arith.constant 0 : i32
    %dma_wait3A_83 = arith.constant 0 : i32
    %dma_wait3A_84 = tpu.memref_slice %arg4[%dma_wait3A_82, %dma_wait3A_83] : memref<253952x128xf32, #tpu.memory_space<hbm>> -> memref<253952x128xf32, #tpu.memory_space<hbm>>
    tpu.wait_indirect_dma semaphore(%arg10 : memref<!tpu.dma_semaphore, #tpu.memory_space<semaphore_mem>>) src(%dma_wait3A_84 : memref<253952x128xf32, #tpu.memory_space<hbm>>) dst(%dma_wait3A_78 : memref<128x128xf32, #tpu.memory_space<vmem>>)
    "tpu.region"() ({
      %run_scoped3A = tpu.sem_alloc : memref<!tpu.dma_semaphore, #tpu.memory_space<semaphore_mem>>
      %dma_start3A_165 = arith.constant 0 : i32
      %dma_start3A_166 = tpu.memref_slice %arg5[%mul3A_2, %dma_start3A_165] : memref<16384x128xf32, #tpu.memory_space<hbm>> -> memref<512x128xf32, #tpu.memory_space<hbm>>
      %dma_start3A_167 = arith.constant 0 : i32
      %dma_start3A_168 = tpu.memref_slice %arg5[%mul3A_2, %dma_start3A_167] : memref<16384x128xf32, #tpu.memory_space<hbm>> -> memref<512x128xf32, #tpu.memory_space<hbm>>
      tpu.enqueue_dma source(%arg9 : memref<512x128xf32, #tpu.memory_space<vmem>>) target(%dma_start3A_168 : memref<512x128xf32, #tpu.memory_space<hbm>>) target_semaphore(%run_scoped3A : memref<!tpu.dma_semaphore, #tpu.memory_space<semaphore_mem>>)
      %dma_wait3A_169 = arith.constant 0 : i32
      %dma_wait3A_170 = tpu.memref_slice %arg5[%mul3A_2, %dma_wait3A_169] : memref<16384x128xf32, #tpu.memory_space<hbm>> -> memref<512x128xf32, #tpu.memory_space<hbm>>
      %dma_wait3A_171 = arith.constant 0 : i32
      %dma_wait3A_172 = tpu.memref_slice %arg5[%mul3A_2, %dma_wait3A_171] : memref<16384x128xf32, #tpu.memory_space<hbm>> -> memref<512x128xf32, #tpu.memory_space<hbm>>
      tpu.wait_dma2 semaphore(%run_scoped3A : memref<!tpu.dma_semaphore, #tpu.memory_space<semaphore_mem>>) src(%arg9 : memref<512x128xf32, #tpu.memory_space<vmem>>) dst(%dma_wait3A_172 : memref<512x128xf32, #tpu.memory_space<hbm>>)
      tpu.yield
    }) : () -> ()
    %dma_start3A_85 = arith.constant 0 : i32
    %dma_start3A_86 = arith.constant 0 : i32
    %dma_start3A_87 = arith.constant 0 : i32
    %dma_start3A_88 = tpu.memref_slice %arg9[%dma_start3A_86, %dma_start3A_87] : memref<512x128xf32, #tpu.memory_space<vmem>> -> memref<128x128xf32, #tpu.memory_space<vmem>>
    %dma_start3A_89 = arith.constant 0 : i32
    %dma_start3A_90 = tpu.memref_slice %arg8[%dma_start3A_85, %dma_start3A_89] : memref<4x128xi32, #tpu.memory_space<vmem>> -> memref<1x128xi32, #tpu.memory_space<vmem>>
    %dma_start3A_91 = tpu.memref_squeeze %dma_start3A_90 : memref<1x128xi32, #tpu.memory_space<vmem>> -> memref<128xi32, #tpu.memory_space<vmem>>
    %dma_start3A_92 = arith.constant 0 : i32
    %dma_start3A_93 = arith.constant 0 : i32
    %dma_start3A_94 = tpu.memref_slice %arg4[%dma_start3A_92, %dma_start3A_93] : memref<253952x128xf32, #tpu.memory_space<hbm>> -> memref<253952x128xf32, #tpu.memory_space<hbm>>
    tpu.enqueue_indirect_dma source(%dma_start3A_94 : memref<253952x128xf32, #tpu.memory_space<hbm>>) target(%dma_start3A_88 : memref<128x128xf32, #tpu.memory_space<vmem>>) offsets(%dma_start3A_91 : memref<128xi32, #tpu.memory_space<vmem>>) semaphore(%arg10 : memref<!tpu.dma_semaphore, #tpu.memory_space<semaphore_mem>>)
    %dma_start3A_95 = arith.constant 1 : i32
    %dma_start3A_96 = arith.constant 128 : i32
    %dma_start3A_97 = arith.constant 0 : i32
    %dma_start3A_98 = tpu.memref_slice %arg9[%dma_start3A_96, %dma_start3A_97] : memref<512x128xf32, #tpu.memory_space<vmem>> -> memref<128x128xf32, #tpu.memory_space<vmem>>
    %dma_start3A_99 = arith.constant 0 : i32
    %dma_start3A_100 = tpu.memref_slice %arg8[%dma_start3A_95, %dma_start3A_99] : memref<4x128xi32, #tpu.memory_space<vmem>> -> memref<1x128xi32, #tpu.memory_space<vmem>>
    %dma_start3A_101 = tpu.memref_squeeze %dma_start3A_100 : memref<1x128xi32, #tpu.memory_space<vmem>> -> memref<128xi32, #tpu.memory_space<vmem>>
    %dma_start3A_102 = arith.constant 0 : i32
    %dma_start3A_103 = arith.constant 0 : i32
    %dma_start3A_104 = tpu.memref_slice %arg4[%dma_start3A_102, %dma_start3A_103] : memref<253952x128xf32, #tpu.memory_space<hbm>> -> memref<253952x128xf32, #tpu.memory_space<hbm>>
    tpu.enqueue_indirect_dma source(%dma_start3A_104 : memref<253952x128xf32, #tpu.memory_space<hbm>>) target(%dma_start3A_98 : memref<128x128xf32, #tpu.memory_space<vmem>>) offsets(%dma_start3A_101 : memref<128xi32, #tpu.memory_space<vmem>>) semaphore(%arg10 : memref<!tpu.dma_semaphore, #tpu.memory_space<semaphore_mem>>)
    %dma_start3A_105 = arith.constant 2 : i32
    %dma_start3A_106 = arith.constant 256 : i32
    %dma_start3A_107 = arith.constant 0 : i32
    %dma_start3A_108 = tpu.memref_slice %arg9[%dma_start3A_106, %dma_start3A_107] : memref<512x128xf32, #tpu.memory_space<vmem>> -> memref<128x128xf32, #tpu.memory_space<vmem>>
    %dma_start3A_109 = arith.constant 0 : i32
    %dma_start3A_110 = tpu.memref_slice %arg8[%dma_start3A_105, %dma_start3A_109] : memref<4x128xi32, #tpu.memory_space<vmem>> -> memref<1x128xi32, #tpu.memory_space<vmem>>
    %dma_start3A_111 = tpu.memref_squeeze %dma_start3A_110 : memref<1x128xi32, #tpu.memory_space<vmem>> -> memref<128xi32, #tpu.memory_space<vmem>>
    %dma_start3A_112 = arith.constant 0 : i32
    %dma_start3A_113 = arith.constant 0 : i32
    %dma_start3A_114 = tpu.memref_slice %arg4[%dma_start3A_112, %dma_start3A_113] : memref<253952x128xf32, #tpu.memory_space<hbm>> -> memref<253952x128xf32, #tpu.memory_space<hbm>>
    tpu.enqueue_indirect_dma source(%dma_start3A_114 : memref<253952x128xf32, #tpu.memory_space<hbm>>) target(%dma_start3A_108 : memref<128x128xf32, #tpu.memory_space<vmem>>) offsets(%dma_start3A_111 : memref<128xi32, #tpu.memory_space<vmem>>) semaphore(%arg10 : memref<!tpu.dma_semaphore, #tpu.memory_space<semaphore_mem>>)
    %dma_start3A_115 = arith.constant 3 : i32
    %dma_start3A_116 = arith.constant 384 : i32
    %dma_start3A_117 = arith.constant 0 : i32
    %dma_start3A_118 = tpu.memref_slice %arg9[%dma_start3A_116, %dma_start3A_117] : memref<512x128xf32, #tpu.memory_space<vmem>> -> memref<128x128xf32, #tpu.memory_space<vmem>>
    %dma_start3A_119 = arith.constant 0 : i32
    %dma_start3A_120 = tpu.memref_slice %arg8[%dma_start3A_115, %dma_start3A_119] : memref<4x128xi32, #tpu.memory_space<vmem>> -> memref<1x128xi32, #tpu.memory_space<vmem>>
    %dma_start3A_121 = tpu.memref_squeeze %dma_start3A_120 : memref<1x128xi32, #tpu.memory_space<vmem>> -> memref<128xi32, #tpu.memory_space<vmem>>
    %dma_start3A_122 = arith.constant 0 : i32
    %dma_start3A_123 = arith.constant 0 : i32
    %dma_start3A_124 = tpu.memref_slice %arg4[%dma_start3A_122, %dma_start3A_123] : memref<253952x128xf32, #tpu.memory_space<hbm>> -> memref<253952x128xf32, #tpu.memory_space<hbm>>
    tpu.enqueue_indirect_dma source(%dma_start3A_124 : memref<253952x128xf32, #tpu.memory_space<hbm>>) target(%dma_start3A_118 : memref<128x128xf32, #tpu.memory_space<vmem>>) offsets(%dma_start3A_121 : memref<128xi32, #tpu.memory_space<vmem>>) semaphore(%arg10 : memref<!tpu.dma_semaphore, #tpu.memory_space<semaphore_mem>>)
    %dma_wait3A_125 = arith.constant 0 : i32
    %dma_wait3A_126 = arith.constant 0 : i32
    %dma_wait3A_127 = arith.constant 0 : i32
    %dma_wait3A_128 = tpu.memref_slice %arg9[%dma_wait3A_126, %dma_wait3A_127] : memref<512x128xf32, #tpu.memory_space<vmem>> -> memref<128x128xf32, #tpu.memory_space<vmem>>
    %dma_wait3A_129 = arith.constant 0 : i32
    %dma_wait3A_130 = tpu.memref_slice %arg8[%dma_wait3A_125, %dma_wait3A_129] : memref<4x128xi32, #tpu.memory_space<vmem>> -> memref<1x128xi32, #tpu.memory_space<vmem>>
    %dma_wait3A_131 = tpu.memref_squeeze %dma_wait3A_130 : memref<1x128xi32, #tpu.memory_space<vmem>> -> memref<128xi32, #tpu.memory_space<vmem>>
    %dma_wait3A_132 = arith.constant 0 : i32
    %dma_wait3A_133 = arith.constant 0 : i32
    %dma_wait3A_134 = tpu.memref_slice %arg4[%dma_wait3A_132, %dma_wait3A_133] : memref<253952x128xf32, #tpu.memory_space<hbm>> -> memref<253952x128xf32, #tpu.memory_space<hbm>>
    tpu.wait_indirect_dma semaphore(%arg10 : memref<!tpu.dma_semaphore, #tpu.memory_space<semaphore_mem>>) src(%dma_wait3A_134 : memref<253952x128xf32, #tpu.memory_space<hbm>>) dst(%dma_wait3A_128 : memref<128x128xf32, #tpu.memory_space<vmem>>)
    %dma_wait3A_135 = arith.constant 1 : i32
    %dma_wait3A_136 = arith.constant 128 : i32
    %dma_wait3A_137 = arith.constant 0 : i32
    %dma_wait3A_138 = tpu.memref_slice %arg9[%dma_wait3A_136, %dma_wait3A_137] : memref<512x128xf32, #tpu.memory_space<vmem>> -> memref<128x128xf32, #tpu.memory_space<vmem>>
    %dma_wait3A_139 = arith.constant 0 : i32
    %dma_wait3A_140 = tpu.memref_slice %arg8[%dma_wait3A_135, %dma_wait3A_139] : memref<4x128xi32, #tpu.memory_space<vmem>> -> memref<1x128xi32, #tpu.memory_space<vmem>>
    %dma_wait3A_141 = tpu.memref_squeeze %dma_wait3A_140 : memref<1x128xi32, #tpu.memory_space<vmem>> -> memref<128xi32, #tpu.memory_space<vmem>>
    %dma_wait3A_142 = arith.constant 0 : i32
    %dma_wait3A_143 = arith.constant 0 : i32
    %dma_wait3A_144 = tpu.memref_slice %arg4[%dma_wait3A_142, %dma_wait3A_143] : memref<253952x128xf32, #tpu.memory_space<hbm>> -> memref<253952x128xf32, #tpu.memory_space<hbm>>
    tpu.wait_indirect_dma semaphore(%arg10 : memref<!tpu.dma_semaphore, #tpu.memory_space<semaphore_mem>>) src(%dma_wait3A_144 : memref<253952x128xf32, #tpu.memory_space<hbm>>) dst(%dma_wait3A_138 : memref<128x128xf32, #tpu.memory_space<vmem>>)
    %dma_wait3A_145 = arith.constant 2 : i32
    %dma_wait3A_146 = arith.constant 256 : i32
    %dma_wait3A_147 = arith.constant 0 : i32
    %dma_wait3A_148 = tpu.memref_slice %arg9[%dma_wait3A_146, %dma_wait3A_147] : memref<512x128xf32, #tpu.memory_space<vmem>> -> memref<128x128xf32, #tpu.memory_space<vmem>>
    %dma_wait3A_149 = arith.constant 0 : i32
    %dma_wait3A_150 = tpu.memref_slice %arg8[%dma_wait3A_145, %dma_wait3A_149] : memref<4x128xi32, #tpu.memory_space<vmem>> -> memref<1x128xi32, #tpu.memory_space<vmem>>
    %dma_wait3A_151 = tpu.memref_squeeze %dma_wait3A_150 : memref<1x128xi32, #tpu.memory_space<vmem>> -> memref<128xi32, #tpu.memory_space<vmem>>
    %dma_wait3A_152 = arith.constant 0 : i32
    %dma_wait3A_153 = arith.constant 0 : i32
    %dma_wait3A_154 = tpu.memref_slice %arg4[%dma_wait3A_152, %dma_wait3A_153] : memref<253952x128xf32, #tpu.memory_space<hbm>> -> memref<253952x128xf32, #tpu.memory_space<hbm>>
    tpu.wait_indirect_dma semaphore(%arg10 : memref<!tpu.dma_semaphore, #tpu.memory_space<semaphore_mem>>) src(%dma_wait3A_154 : memref<253952x128xf32, #tpu.memory_space<hbm>>) dst(%dma_wait3A_148 : memref<128x128xf32, #tpu.memory_space<vmem>>)
    %dma_wait3A_155 = arith.constant 3 : i32
    %dma_wait3A_156 = arith.constant 384 : i32
    %dma_wait3A_157 = arith.constant 0 : i32
    %dma_wait3A_158 = tpu.memref_slice %arg9[%dma_wait3A_156, %dma_wait3A_157] : memref<512x128xf32, #tpu.memory_space<vmem>> -> memref<128x128xf32, #tpu.memory_space<vmem>>
    %dma_wait3A_159 = arith.constant 0 : i32
    %dma_wait3A_160 = tpu.memref_slice %arg8[%dma_wait3A_155, %dma_wait3A_159] : memref<4x128xi32, #tpu.memory_space<vmem>> -> memref<1x128xi32, #tpu.memory_space<vmem>>
    %dma_wait3A_161 = tpu.memref_squeeze %dma_wait3A_160 : memref<1x128xi32, #tpu.memory_space<vmem>> -> memref<128xi32, #tpu.memory_space<vmem>>
    %dma_wait3A_162 = arith.constant 0 : i32
    %dma_wait3A_163 = arith.constant 0 : i32
    %dma_wait3A_164 = tpu.memref_slice %arg4[%dma_wait3A_162, %dma_wait3A_163] : memref<253952x128xf32, #tpu.memory_space<hbm>> -> memref<253952x128xf32, #tpu.memory_space<hbm>>
    tpu.wait_indirect_dma semaphore(%arg10 : memref<!tpu.dma_semaphore, #tpu.memory_space<semaphore_mem>>) src(%dma_wait3A_164 : memref<253952x128xf32, #tpu.memory_space<hbm>>) dst(%dma_wait3A_158 : memref<128x128xf32, #tpu.memory_space<vmem>>)
    "tpu.region"() ({
      %run_scoped3A = tpu.sem_alloc : memref<!tpu.dma_semaphore, #tpu.memory_space<semaphore_mem>>
      %dma_start3A_165 = arith.constant 0 : i32
      %dma_start3A_166 = tpu.memref_slice %arg6[%mul3A_2, %dma_start3A_165] : memref<16384x128xf32, #tpu.memory_space<hbm>> -> memref<512x128xf32, #tpu.memory_space<hbm>>
      %dma_start3A_167 = arith.constant 0 : i32
      %dma_start3A_168 = tpu.memref_slice %arg6[%mul3A_2, %dma_start3A_167] : memref<16384x128xf32, #tpu.memory_space<hbm>> -> memref<512x128xf32, #tpu.memory_space<hbm>>
      tpu.enqueue_dma source(%arg9 : memref<512x128xf32, #tpu.memory_space<vmem>>) target(%dma_start3A_168 : memref<512x128xf32, #tpu.memory_space<hbm>>) target_semaphore(%run_scoped3A : memref<!tpu.dma_semaphore, #tpu.memory_space<semaphore_mem>>)
      %dma_wait3A_169 = arith.constant 0 : i32
      %dma_wait3A_170 = tpu.memref_slice %arg6[%mul3A_2, %dma_wait3A_169] : memref<16384x128xf32, #tpu.memory_space<hbm>> -> memref<512x128xf32, #tpu.memory_space<hbm>>
      %dma_wait3A_171 = arith.constant 0 : i32
      %dma_wait3A_172 = tpu.memref_slice %arg6[%mul3A_2, %dma_wait3A_171] : memref<16384x128xf32, #tpu.memory_space<hbm>> -> memref<512x128xf32, #tpu.memory_space<hbm>>
      tpu.wait_dma2 semaphore(%run_scoped3A : memref<!tpu.dma_semaphore, #tpu.memory_space<semaphore_mem>>) src(%arg9 : memref<512x128xf32, #tpu.memory_space<vmem>>) dst(%dma_wait3A_172 : memref<512x128xf32, #tpu.memory_space<hbm>>)
      tpu.yield
    }) : () -> ()
    return
  }
}

module attributes {stable_mosaic.version = 14 : i64} {
  func.func @_relayout_body(%arg0: i32, %arg1: memref<32x8192xf32, #tpu.memory_space<vmem>>, %arg2: memref<32x8192xf32, #tpu.memory_space<vmem>>, %arg3: memref<32x8192xf32, #tpu.memory_space<vmem>>, %arg4: memref<32x8192xf32, #tpu.memory_space<vmem>>, %arg5: memref<32x8192xf32, #tpu.memory_space<vmem>>, %arg6: memref<32x8192xf32, #tpu.memory_space<vmem>>, %arg7: memref<32x8192xf32, #tpu.memory_space<vmem>>, %arg8: memref<32x8192xf32, #tpu.memory_space<vmem>>, %arg9: memref<8192x128xf32, #tpu.memory_space<vmem>>) attributes {dimension_semantics = [#tpu.dimension_semantics<arbitrary>], iteration_bounds = array<i64: 31>, scalar_prefetch = 0 : i64, scratch_operands = 0 : i64, tpu.core_type = #tpu.core_type<tc>, window_params = [{transform_indices = @transform_0, window_bounds = array<i64: 32, 8192>}, {transform_indices = @transform_1, window_bounds = array<i64: 32, 8192>}, {transform_indices = @transform_2, window_bounds = array<i64: 32, 8192>}, {transform_indices = @transform_3, window_bounds = array<i64: 32, 8192>}, {transform_indices = @transform_4, window_bounds = array<i64: 32, 8192>}, {transform_indices = @transform_5, window_bounds = array<i64: 32, 8192>}, {transform_indices = @transform_6, window_bounds = array<i64: 32, 8192>}, {transform_indices = @transform_7, window_bounds = array<i64: 32, 8192>}, {transform_indices = @transform_8, window_bounds = array<i64: 8192, 128>}]} {
    %get3A = arith.constant 0 : index
    %get3A_0 = arith.constant 0 : index
    %get3A_1 = vector.load %arg1[%get3A, %get3A_0] : memref<32x8192xf32, #tpu.memory_space<vmem>>, vector<32x8192xf32>
    %get3A_2 = arith.constant 0 : index
    %get3A_3 = arith.constant 0 : index
    %get3A_4 = vector.load %arg2[%get3A_2, %get3A_3] : memref<32x8192xf32, #tpu.memory_space<vmem>>, vector<32x8192xf32>
    %get3A_5 = arith.constant 0 : index
    %get3A_6 = arith.constant 0 : index
    %get3A_7 = vector.load %arg3[%get3A_5, %get3A_6] : memref<32x8192xf32, #tpu.memory_space<vmem>>, vector<32x8192xf32>
    %get3A_8 = arith.constant 0 : index
    %get3A_9 = arith.constant 0 : index
    %get3A_10 = vector.load %arg4[%get3A_8, %get3A_9] : memref<32x8192xf32, #tpu.memory_space<vmem>>, vector<32x8192xf32>
    %concatenate3A = tpu.concatenate %get3A_1, %get3A_4, %get3A_7, %get3A_10 in 0 : vector<32x8192xf32>, vector<32x8192xf32>, vector<32x8192xf32>, vector<32x8192xf32> -> vector<128x8192xf32>
    %get3A_11 = arith.constant 0 : index
    %get3A_12 = arith.constant 0 : index
    %get3A_13 = vector.load %arg5[%get3A_11, %get3A_12] : memref<32x8192xf32, #tpu.memory_space<vmem>>, vector<32x8192xf32>
    %get3A_14 = arith.constant 0 : index
    %get3A_15 = arith.constant 0 : index
    %get3A_16 = vector.load %arg6[%get3A_14, %get3A_15] : memref<32x8192xf32, #tpu.memory_space<vmem>>, vector<32x8192xf32>
    %get3A_17 = arith.constant 0 : index
    %get3A_18 = arith.constant 0 : index
    %get3A_19 = vector.load %arg7[%get3A_17, %get3A_18] : memref<32x8192xf32, #tpu.memory_space<vmem>>, vector<32x8192xf32>
    %get3A_20 = arith.constant 0 : index
    %get3A_21 = arith.constant 0 : index
    %get3A_22 = vector.load %arg8[%get3A_20, %get3A_21] : memref<32x8192xf32, #tpu.memory_space<vmem>>, vector<32x8192xf32>
    %concatenate3A_23 = tpu.concatenate %get3A_13, %get3A_16, %get3A_19, %get3A_22 in 0 : vector<32x8192xf32>, vector<32x8192xf32>, vector<32x8192xf32>, vector<32x8192xf32> -> vector<128x8192xf32>
    %transpose3A = tpu.transpose %concatenate3A, [1, 0] : vector<128x8192xf32> -> vector<8192x128xf32>
    %bitcast_convert_type3A = tpu.bitcast %transpose3A : vector<8192x128xf32> -> vector<8192x128xi32>
    %add3A = arith.constant 32767 : i32
    %add3A_24 = vector.broadcast %add3A : i32 to vector<8192x128xi32>
    %add3A_25 = arith.addi %bitcast_convert_type3A, %add3A_24 : vector<8192x128xi32>
    %shift_right_logical3A = arith.constant 16 : i32
    %shift_right_logical3A_26 = vector.broadcast %shift_right_logical3A : i32 to vector<8192x128xi32>
    %shift_right_logical3A_27 = arith.shrui %bitcast_convert_type3A, %shift_right_logical3A_26 : vector<8192x128xi32>
    %and3A = arith.constant 1 : i32
    %and3A_28 = vector.broadcast %and3A : i32 to vector<8192x128xi32>
    %and3A_29 = arith.andi %shift_right_logical3A_27, %and3A_28 : vector<8192x128xi32>
    %add3A_30 = arith.addi %add3A_25, %and3A_29 : vector<8192x128xi32>
    %shift_right_logical3A_31 = arith.constant 16 : i32
    %shift_right_logical3A_32 = vector.broadcast %shift_right_logical3A_31 : i32 to vector<8192x128xi32>
    %shift_right_logical3A_33 = arith.shrui %add3A_30, %shift_right_logical3A_32 : vector<8192x128xi32>
    %transpose3A_34 = tpu.transpose %concatenate3A_23, [1, 0] : vector<128x8192xf32> -> vector<8192x128xf32>
    %bitcast_convert_type3A_35 = tpu.bitcast %transpose3A_34 : vector<8192x128xf32> -> vector<8192x128xi32>
    %add3A_36 = arith.constant 32767 : i32
    %add3A_37 = vector.broadcast %add3A_36 : i32 to vector<8192x128xi32>
    %add3A_38 = arith.addi %bitcast_convert_type3A_35, %add3A_37 : vector<8192x128xi32>
    %shift_right_logical3A_39 = arith.constant 16 : i32
    %shift_right_logical3A_40 = vector.broadcast %shift_right_logical3A_39 : i32 to vector<8192x128xi32>
    %shift_right_logical3A_41 = arith.shrui %bitcast_convert_type3A_35, %shift_right_logical3A_40 : vector<8192x128xi32>
    %and3A_42 = arith.constant 1 : i32
    %and3A_43 = vector.broadcast %and3A_42 : i32 to vector<8192x128xi32>
    %and3A_44 = arith.andi %shift_right_logical3A_41, %and3A_43 : vector<8192x128xi32>
    %add3A_45 = arith.addi %add3A_38, %and3A_44 : vector<8192x128xi32>
    %shift_right_logical3A_46 = arith.constant 16 : i32
    %shift_right_logical3A_47 = vector.broadcast %shift_right_logical3A_46 : i32 to vector<8192x128xi32>
    %shift_right_logical3A_48 = arith.shrui %add3A_45, %shift_right_logical3A_47 : vector<8192x128xi32>
    %shift_left3A = arith.constant 16 : i32
    %shift_left3A_49 = vector.broadcast %shift_left3A : i32 to vector<8192x128xi32>
    %shift_left3A_50 = arith.shli %shift_right_logical3A_48, %shift_left3A_49 : vector<8192x128xi32>
    %or3A = arith.ori %shift_right_logical3A_33, %shift_left3A_50 : vector<8192x128xi32>
    %bitcast_convert_type3A_51 = tpu.bitcast %or3A : vector<8192x128xi32> -> vector<8192x128xf32>
    %swap3A = arith.constant 0 : index
    %swap3A_52 = arith.constant 0 : index
    %swap3A_53 = vector.load %arg9[%swap3A, %swap3A_52] : memref<8192x128xf32, #tpu.memory_space<vmem>>, vector<8192x128xf32>
    tpu.vector_store %arg9[%swap3A, %swap3A_52], %bitcast_convert_type3A_51 {strides = array<i32>} : memref<8192x128xf32, #tpu.memory_space<vmem>>, vector<8192x128xf32>,
    return
  }
  func.func @transform_0(%arg0: i32) -> (i32, i32) {
    %add3A = arith.constant 0 : i32
    %add3A_0 = arith.addi %add3A, %arg0 : i32
    %min3A = arith.constant 122 : i32
    %min3A_1 = arith.minsi %add3A_0, %min3A : i32
    %c0_i32 = arith.constant 0 : i32
    %c0_i32_2 = arith.constant 0 : i32
    return %c0_i32, %min3A_1 : i32, i32
  }
  func.func @transform_1(%arg0: i32) -> (i32, i32) {
    %add3A = arith.constant 31 : i32
    %add3A_0 = arith.addi %add3A, %arg0 : i32
    %min3A = arith.constant 122 : i32
    %min3A_1 = arith.minsi %add3A_0, %min3A : i32
    %c0_i32 = arith.constant 0 : i32
    %c0_i32_2 = arith.constant 0 : i32
    return %c0_i32, %min3A_1 : i32, i32
  }
  func.func @transform_2(%arg0: i32) -> (i32, i32) {
    %add3A = arith.constant 62 : i32
    %add3A_0 = arith.addi %add3A, %arg0 : i32
    %min3A = arith.constant 122 : i32
    %min3A_1 = arith.minsi %add3A_0, %min3A : i32
    %c0_i32 = arith.constant 0 : i32
    %c0_i32_2 = arith.constant 0 : i32
    return %c0_i32, %min3A_1 : i32, i32
  }
  func.func @transform_3(%arg0: i32) -> (i32, i32) {
    %add3A = arith.constant 93 : i32
    %add3A_0 = arith.addi %add3A, %arg0 : i32
    %min3A = arith.constant 122 : i32
    %min3A_1 = arith.minsi %add3A_0, %min3A : i32
    %c0_i32 = arith.constant 0 : i32
    %c0_i32_2 = arith.constant 0 : i32
    return %c0_i32, %min3A_1 : i32, i32
  }
  func.func @transform_4(%arg0: i32) -> (i32, i32) {
    %add3A = arith.constant 0 : i32
    %add3A_0 = arith.addi %add3A, %arg0 : i32
    %min3A = arith.constant 122 : i32
    %min3A_1 = arith.minsi %add3A_0, %min3A : i32
    %c0_i32 = arith.constant 0 : i32
    %c0_i32_2 = arith.constant 0 : i32
    return %c0_i32, %min3A_1 : i32, i32
  }
  func.func @transform_5(%arg0: i32) -> (i32, i32) {
    %add3A = arith.constant 31 : i32
    %add3A_0 = arith.addi %add3A, %arg0 : i32
    %min3A = arith.constant 122 : i32
    %min3A_1 = arith.minsi %add3A_0, %min3A : i32
    %c0_i32 = arith.constant 0 : i32
    %c0_i32_2 = arith.constant 0 : i32
    return %c0_i32, %min3A_1 : i32, i32
  }
  func.func @transform_6(%arg0: i32) -> (i32, i32) {
    %add3A = arith.constant 62 : i32
    %add3A_0 = arith.addi %add3A, %arg0 : i32
    %min3A = arith.constant 122 : i32
    %min3A_1 = arith.minsi %add3A_0, %min3A : i32
    %c0_i32 = arith.constant 0 : i32
    %c0_i32_2 = arith.constant 0 : i32
    return %c0_i32, %min3A_1 : i32, i32
  }
  func.func @transform_7(%arg0: i32) -> (i32, i32) {
    %add3A = arith.constant 93 : i32
    %add3A_0 = arith.addi %add3A, %arg0 : i32
    %min3A = arith.constant 122 : i32
    %min3A_1 = arith.minsi %add3A_0, %min3A : i32
    %c0_i32 = arith.constant 0 : i32
    %c0_i32_2 = arith.constant 0 : i32
    return %c0_i32, %min3A_1 : i32, i32
  }
  func.func @transform_8(%arg0: i32) -> (i32, i32) {
    %c0_i32 = arith.constant 0 : i32
    %c0_i32_0 = arith.constant 0 : i32
    return %arg0, %c0_i32 : i32, i32
  }
}

module attributes {stable_mosaic.version = 14 : i64} {
  func.func @_mlp_body(%arg0: i32, %arg1: memref<4096x128xf32, #tpu.memory_space<vmem>>, %arg2: memref<4096x128xf32, #tpu.memory_space<vmem>>, %arg3: memref<4096x128xi8, #tpu.memory_space<vmem>>, %arg4: memref<4096x128xi8, #tpu.memory_space<vmem>>, %arg5: memref<128x64xf32, #tpu.memory_space<vmem>>, %arg6: memref<128x64xf32, #tpu.memory_space<vmem>>, %arg7: memref<1x64xf32, #tpu.memory_space<vmem>>, %arg8: memref<64x32xf32, #tpu.memory_space<vmem>>, %arg9: memref<1x32xf32, #tpu.memory_space<vmem>>, %arg10: memref<4096x32xf32, #tpu.memory_space<vmem>>) attributes {dimension_semantics = [#tpu.dimension_semantics<arbitrary>], iteration_bounds = array<i64: 4>, scalar_prefetch = 0 : i64, scratch_operands = 0 : i64, tpu.core_type = #tpu.core_type<tc>, window_params = [{transform_indices = @transform_0, window_bounds = array<i64: 4096, 128>}, {transform_indices = @transform_1, window_bounds = array<i64: 4096, 128>}, {transform_indices = @transform_2, window_bounds = array<i64: 4096, 128>}, {transform_indices = @transform_3, window_bounds = array<i64: 4096, 128>}, {pipeline_mode = #tpu.pipeline_mode<synchronous>, transform_indices = @transform_4, window_bounds = array<i64: 128, 64>}, {pipeline_mode = #tpu.pipeline_mode<synchronous>, transform_indices = @transform_5, window_bounds = array<i64: 128, 64>}, {pipeline_mode = #tpu.pipeline_mode<synchronous>, transform_indices = @transform_6, window_bounds = array<i64: 1, 64>}, {pipeline_mode = #tpu.pipeline_mode<synchronous>, transform_indices = @transform_7, window_bounds = array<i64: 64, 32>}, {pipeline_mode = #tpu.pipeline_mode<synchronous>, transform_indices = @transform_8, window_bounds = array<i64: 1, 32>}, {transform_indices = @transform_9, window_bounds = array<i64: 4096, 32>}]} {
    %get3A = arith.constant 0 : index
    %get3A_0 = arith.constant 0 : index
    %get3A_1 = vector.load %arg1[%get3A, %get3A_0] : memref<4096x128xf32, #tpu.memory_space<vmem>>, vector<4096x128xf32>
    %bitcast_convert_type3A = tpu.bitcast %get3A_1 : vector<4096x128xf32> -> vector<4096x128xi32>
    %get3A_2 = arith.constant 0 : index
    %get3A_3 = arith.constant 0 : index
    %get3A_4 = vector.load %arg2[%get3A_2, %get3A_3] : memref<4096x128xf32, #tpu.memory_space<vmem>>, vector<4096x128xf32>
    %bitcast_convert_type3A_5 = tpu.bitcast %get3A_4 : vector<4096x128xf32> -> vector<4096x128xi32>
    %shift_left3A = arith.constant 16 : i32
    %shift_left3A_6 = vector.broadcast %shift_left3A : i32 to vector<4096x128xi32>
    %shift_left3A_7 = arith.shli %bitcast_convert_type3A, %shift_left3A_6 : vector<4096x128xi32>
    %bitcast_convert_type3A_8 = tpu.bitcast %shift_left3A_7 : vector<4096x128xi32> -> vector<4096x128xf32>
    %and3A = arith.constant -65536 : i32
    %and3A_9 = vector.broadcast %and3A : i32 to vector<4096x128xi32>
    %and3A_10 = arith.andi %bitcast_convert_type3A_5, %and3A_9 : vector<4096x128xi32>
    %bitcast_convert_type3A_11 = tpu.bitcast %and3A_10 : vector<4096x128xi32> -> vector<4096x128xf32>
    %get3A_12 = arith.constant 0 : index
    %get3A_13 = arith.constant 0 : index
    %get3A_14 = vector.load %arg3[%get3A_12, %get3A_13] : memref<4096x128xi8, #tpu.memory_space<vmem>>, vector<4096x128xi8>
    %ne3A = arith.constant 0 : i8
    %ne3A_15 = vector.broadcast %ne3A : i8 to vector<4096x128xi8>
    %ne3A_16 = arith.cmpi ne, %get3A_14, %ne3A_15 : vector<4096x128xi8>
    %jit3A = arith.constant 0.000000e+00 : f32
    %broadcast_in_dim3A = vector.broadcast %jit3A : f32 to vector<4096x128xf32>
    %select_n3A = arith.select %ne3A_16, %bitcast_convert_type3A_8, %broadcast_in_dim3A : vector<4096x128xi1>, vector<4096x128xf32>
    %get3A_17 = arith.constant 0 : index
    %get3A_18 = arith.constant 0 : index
    %get3A_19 = vector.load %arg4[%get3A_17, %get3A_18] : memref<4096x128xi8, #tpu.memory_space<vmem>>, vector<4096x128xi8>
    %ne3A_20 = arith.constant 0 : i8
    %ne3A_21 = vector.broadcast %ne3A_20 : i8 to vector<4096x128xi8>
    %ne3A_22 = arith.cmpi ne, %get3A_19, %ne3A_21 : vector<4096x128xi8>
    %jit3A_23 = arith.constant 0.000000e+00 : f32
    %broadcast_in_dim3A_24 = vector.broadcast %jit3A_23 : f32 to vector<4096x128xf32>
    %select_n3A_25 = arith.select %ne3A_22, %bitcast_convert_type3A_11, %broadcast_in_dim3A_24 : vector<4096x128xi1>, vector<4096x128xf32>
    %get3A_26 = arith.constant 0 : index
    %get3A_27 = arith.constant 0 : index
    %get3A_28 = vector.load %arg5[%get3A_26, %get3A_27] : memref<128x64xf32, #tpu.memory_space<vmem>>, vector<128x64xf32>
    %dot_general3A = arith.constant dense<0.000000e+00> : vector<4096x64xf32>
    %dot_general3A_29 = tpu.matmul %select_n3A, %get3A_28, %dot_general3A {dimension_numbers = #tpu.dot_dimension_numbers<[1], [0], [0], [1], [0, 0, 1, 1], [], []>, transpose_lhs_hint = false} : vector<4096x128xf32>, vector<128x64xf32>, vector<4096x64xf32> -> vector<4096x64xf32>
    %get3A_30 = arith.constant 0 : index
    %get3A_31 = arith.constant 0 : index
    %get3A_32 = vector.load %arg6[%get3A_30, %get3A_31] : memref<128x64xf32, #tpu.memory_space<vmem>>, vector<128x64xf32>
    %dot_general3A_33 = arith.constant dense<0.000000e+00> : vector<4096x64xf32>
    %dot_general3A_34 = tpu.matmul %select_n3A_25, %get3A_32, %dot_general3A_33 {dimension_numbers = #tpu.dot_dimension_numbers<[1], [0], [0], [1], [0, 0, 1, 1], [], []>, transpose_lhs_hint = false} : vector<4096x128xf32>, vector<128x64xf32>, vector<4096x64xf32> -> vector<4096x64xf32>
    %add3A = arith.addf %dot_general3A_29, %dot_general3A_34 : vector<4096x64xf32>
    %get3A_35 = arith.constant 0 : index
    %get3A_36 = arith.constant 0 : index
    %get3A_37 = vector.load %arg7[%get3A_35, %get3A_36] : memref<1x64xf32, #tpu.memory_space<vmem>>, vector<1x64xf32>
    %add3A_38 = vector.broadcast %get3A_37 : vector<1x64xf32> to vector<4096x64xf32>
    %add3A_39 = arith.addf %add3A, %add3A_38 : vector<4096x64xf32>
    %max3A = arith.constant 0.000000e+00 : f32
    %max3A_40 = vector.broadcast %max3A : f32 to vector<4096x64xf32>
    %max3A_41 = arith.maximumf %add3A_39, %max3A_40 : vector<4096x64xf32>
    %get3A_42 = arith.constant 0 : index
    %get3A_43 = arith.constant 0 : index
    %get3A_44 = vector.load %arg8[%get3A_42, %get3A_43] : memref<64x32xf32, #tpu.memory_space<vmem>>, vector<64x32xf32>
    %dot_general3A_45 = arith.constant dense<0.000000e+00> : vector<4096x32xf32>
    %dot_general3A_46 = tpu.matmul %max3A_41, %get3A_44, %dot_general3A_45 {dimension_numbers = #tpu.dot_dimension_numbers<[1], [0], [0], [1], [0, 0, 1, 1], [], []>, transpose_lhs_hint = false} : vector<4096x64xf32>, vector<64x32xf32>, vector<4096x32xf32> -> vector<4096x32xf32>
    %get3A_47 = arith.constant 0 : index
    %get3A_48 = arith.constant 0 : index
    %get3A_49 = vector.load %arg9[%get3A_47, %get3A_48] : memref<1x32xf32, #tpu.memory_space<vmem>>, vector<1x32xf32>
    %add3A_50 = vector.broadcast %get3A_49 : vector<1x32xf32> to vector<4096x32xf32>
    %add3A_51 = arith.addf %dot_general3A_46, %add3A_50 : vector<4096x32xf32>
    %max3A_52 = arith.constant 0.000000e+00 : f32
    %max3A_53 = vector.broadcast %max3A_52 : f32 to vector<4096x32xf32>
    %max3A_54 = arith.maximumf %add3A_51, %max3A_53 : vector<4096x32xf32>
    %swap3A = arith.constant 0 : index
    %swap3A_55 = arith.constant 0 : index
    %swap3A_56 = vector.load %arg10[%swap3A, %swap3A_55] : memref<4096x32xf32, #tpu.memory_space<vmem>>, vector<4096x32xf32>
    tpu.vector_store %arg10[%swap3A, %swap3A_55], %max3A_54 {strides = array<i32>} : memref<4096x32xf32, #tpu.memory_space<vmem>>, vector<4096x32xf32>,
    return
  }
  func.func @transform_0(%arg0: i32) -> (i32, i32) {
    %c0_i32 = arith.constant 0 : i32
    %c0_i32_0 = arith.constant 0 : i32
    return %arg0, %c0_i32 : i32, i32
  }
  func.func @transform_1(%arg0: i32) -> (i32, i32) {
    %c0_i32 = arith.constant 0 : i32
    %c0_i32_0 = arith.constant 0 : i32
    return %arg0, %c0_i32 : i32, i32
  }
  func.func @transform_2(%arg0: i32) -> (i32, i32) {
    %c0_i32 = arith.constant 0 : i32
    %c0_i32_0 = arith.constant 0 : i32
    return %arg0, %c0_i32 : i32, i32
  }
  func.func @transform_3(%arg0: i32) -> (i32, i32) {
    %c0_i32 = arith.constant 0 : i32
    %c0_i32_0 = arith.constant 0 : i32
    return %arg0, %c0_i32 : i32, i32
  }
  func.func @transform_4(%arg0: i32) -> (i32, i32) {
    %c0_i32 = arith.constant 0 : i32
    %c0_i32_0 = arith.constant 0 : i32
    %c0_i32_1 = arith.constant 0 : i32
    return %c0_i32, %c0_i32_0 : i32, i32
  }
  func.func @transform_5(%arg0: i32) -> (i32, i32) {
    %c0_i32 = arith.constant 0 : i32
    %c0_i32_0 = arith.constant 0 : i32
    %c0_i32_1 = arith.constant 0 : i32
    return %c0_i32, %c0_i32_0 : i32, i32
  }
  func.func @transform_6(%arg0: i32) -> (i32, i32) {
    %c0_i32 = arith.constant 0 : i32
    %c0_i32_0 = arith.constant 0 : i32
    %c0_i32_1 = arith.constant 0 : i32
    return %c0_i32, %c0_i32_0 : i32, i32
  }
  func.func @transform_7(%arg0: i32) -> (i32, i32) {
    %c0_i32 = arith.constant 0 : i32
    %c0_i32_0 = arith.constant 0 : i32
    %c0_i32_1 = arith.constant 0 : i32
    return %c0_i32, %c0_i32_0 : i32, i32
  }
  func.func @transform_8(%arg0: i32) -> (i32, i32) {
    %c0_i32 = arith.constant 0 : i32
    %c0_i32_0 = arith.constant 0 : i32
    %c0_i32_1 = arith.constant 0 : i32
    return %c0_i32, %c0_i32_0 : i32, i32
  }
  func.func @transform_9(%arg0: i32) -> (i32, i32) {
    %c0_i32 = arith.constant 0 : i32
    %c0_i32_0 = arith.constant 0 : i32
    return %arg0, %c0_i32 : i32, i32
  }
}

</mosaic_0001>

<sc_bundles>
// kernel: kernel.5.cloned.1.call-start
scs
__scs_entry_jumppad:
0x0: {  	(pc) =	sbr.rel $0x88, $3  }
0x1: {  	(tag) =	ssettag $0x0;
	lr =	simm.s32 $0x1  }
0x2: {  	[smem:$0x3F99] =	sst lr;
	_ =	strace $0xD0000000  }
0x3: {  	_ = 	snop  }
0x4: {  	_ = 	snop  }
0x5: {  	_ = 	snop  }
0x6: {  	_ = 	snop  }
0x7: {  	_ = 	snop  }
__scs_overlays_trampoline_lowered:
0x8: {  	[smem:$0x3FA8] =	sst s0  }
0x9: {  	[smem:$0x3FA9] =	sst s1  }
0xa: {  	[smem:$0x3FAA] =	sst s2  }
0xb: {  	[smem:$0x3FAB] =	sst s3  }
0xc: {  	[smem:$0x3FAC] =	sst s4  }
0xd: {  	[smem:$0x3FAD] =	sst s5  }
0xe: {  	[smem:$0x3FAE] =	sst s6  }
0xf: {  	[smem:$0x3FAF] =	sst s7  }
0x10: {  	[smem:$0x3FB0] =	sst s8  }
0x11: {  	[smem:$0x3FB1] =	sst s9;
	s0 =	simm.s32 @!p0 $0x0  }
0x12: {  	s1 =	sld [smem:$0x3F97];
	s0 =	simm.s32 @p0 $0x1  }
0x13: {  	[smem:$0x3FB2] =	sst s0;
	s0 =	simm.s32 @!p1 $0x0  }
0x14: {  	s2 =	sld [smem:$0x3F96];
	s0 =	simm.s32 @p1 $0x1  }
0x15: {  	[smem:$0x3FB3] =	sst s0;
	s0 =	simm.s32 @!p2 $0x0  }
0x16: {  	s3 =	sld [smem:$0x3FDB];
	s0 =	simm.s32 @p2 $0x1  }
0x17: {  	s4 =	simm.s32 $0x1BF5;
	[smem:$0x3FB5] =	sst s0  }
0x18: {  	s0 =	sld [smem:$0x3F98];
	_ =	swait.ge [sflag:s4], $0x0  }
0x19: {  	s7 =	sld [smem:$0x3F99]  }
0x1a: {  	s8 =	sadd.s32 $0xFFFFE003, lr  }
0x1b: {  	s9 =	sadd.s32 $0xFFFFFEF7, lr;
	s5 =	simm.s32 $0xFFFFFFFF;
	p2 =	slt.u32 s8, $0xFFFFF086  }
0x1c: {  	p1 =	slt.u32 s9, $0xF7A;
	s5 =	simm.s32 @!p2 $0x0  }
0x1d: {  	s5 =	simm.s32 @p1 $0x1;
	p0 =	seq.s32 s7, s2  }
0x1e: {  	s7 =	smul.u32 @!p0 $0xF7A, s2;
	p2 =	seq.s32 @!p0 s5, $0x0  }
0x1f: {  	s9 =	smul.u32 $0xF7A, s1;
	s8 =	simm.s32 @!p0 $0x1BF5;
	p2 =	por !p2, p0  }
0x20: {  	[sflag:s8] =	ssyncset.s32 @!p0 $0xFFFFF086;
	s6 =	sadd.s32 @!p0 s3, s7;
	s7 =	simm.s32 @!p0 $0x108  }
0x21: {  	s3 =	sadd.s32 s3, s9;
	s6 =	sadd.s32 @!p0 $0x88, s6;
	s7 =	simm.s32 @p2 $0x1082  }
0x22: {  	[simem:s7], [sflag:s8] =	dma.local @!p0 [hbm:s6], $0xF7A  }
0x23: {  	s9 =	sor.u32 $0xD0000000, s2;
	s6 =	simm.s32 $0x108;
	_ =	swait.ge @!p0 [sflag:s8], $0x0  }
0x24: {  	s3 =	sadd.s32 $0x88, s3;
	s6 =	simm.s32 @!p1 $0x1082;
	[sflag:s4] =	ssyncset.s32 $0xFFFFF086  }
0x25: {  	[simem:s6], [sflag:s4] =	dma.local [hbm:s3], $0xF7A  }
0x26: {  	[smem:$0x3F99] =	sst s1;
	(tag) =	ssettag s2;
	_ =	strace s9  }
0x27: {  	s1 =	sld [smem:$0x3FA9]  }
0x28: {  	s2 =	sld [smem:$0x3FAA]  }
0x29: {  	s4 =	sld [smem:$0x3FAC]  }
0x2a: {  	p0 =	seq.s32 s5, $0x0;
	s5 =	sld [smem:$0x3FAD]  }
0x2b: {  	s6 =	sld [smem:$0x3FAE]  }
0x2c: {  	s7 =	sld [smem:$0x3FAF]  }
0x2d: {  	s3 =	simm.s32 $0x108;
	s8 =	sld [smem:$0x3FB0]  }
0x2e: {  	s3 =	simm.s32 @!p0 $0x1082;
	s9 =	sld [smem:$0x3FB1]  }
0x2f: {  	lr =	sadd.s32 s0, s3;
	s0 =	sld [smem:$0x3FA8]  }
0x30: {  	s3 =	sld [smem:$0x3FAB]  }
0x31: {  	[smem:$0x3FB4] =	sst s10  }
0x32: {  	s10 =	sld [smem:$0x3FB2];
	_ =	sdelay $0x3  }
0x33: {  	p0 =	seq.s32 s10, $0x1;
	s10 =	sld [smem:$0x3FB4];
	_ =	sdelay $0x3  }
0x34: {  	[smem:$0x3FB4] =	sst s10  }
0x35: {  	s10 =	sld [smem:$0x3FB3];
	_ =	sdelay $0x3  }
0x36: {  	p1 =	seq.s32 s10, $0x1;
	s10 =	sld [smem:$0x3FB4];
	_ =	sdelay $0x3  }
0x37: {  	[smem:$0x3FB4] =	sst s10  }
0x38: {  	s10 =	sld [smem:$0x3FB5]  }
0x39: {  	_ = 	snop;
	(pc) =	sbr.ind lr, $3  }
0x3a: {  	_ = 	snop  }
0x3b: {  	_ = 	snop  }
0x3c: {  	p2 =	seq.s32 s10, $0x1;
	s10 =	sld [smem:$0x3FB4]  }
0x3d: {  	_ =	shalt  }
0x3e: {  	_ =	shalt  }
0x3f: {  	_ =	shalt  }
0x40: {  	_ =	shalt  }
0x41: {  	_ =	shalt  }
0x42: {  	_ =	shalt  }
0x43: {  	_ =	shalt  }
0x44: {  	_ =	shalt  }
0x45: {  	_ =	shalt  }
0x46: {  	_ =	shalt  }
0x47: {  	_ =	shalt  }
0x48: {  	_ =	shalt  }
0x49: {  	_ =	shalt  }
0x4a: {  	_ =	shalt  }
0x4b: {  	_ =	shalt  }
0x4c: {  	_ =	shalt  }
0x4d: {  	_ =	shalt  }
0x4e: {  	_ =	shalt  }
0x4f: {  	_ =	shalt  }
0x50: {  	_ =	shalt  }
0x51: {  	_ =	shalt  }
0x52: {  	_ =	shalt  }
0x53: {  	_ =	shalt  }
0x54: {  	_ =	shalt  }
0x55: {  	_ =	shalt  }
0x56: {  	_ =	shalt  }
0x57: {  	_ =	shalt  }
0x58: {  	_ =	shalt  }
0x59: {  	_ =	shalt  }
0x5a: {  	_ =	shalt  }
0x5b: {  	_ =	shalt  }
0x5c: {  	_ =	shalt  }
0x5d: {  	_ =	shalt  }
0x5e: {  	_ =	shalt  }
0x5f: {  	_ =	shalt  }
0x60: {  	_ =	shalt  }
0x61: {  	_ =	shalt  }
0x62: {  	_ =	shalt  }
0x63: {  	_ =	shalt  }
0x64: {  	_ =	shalt  }
0x65: {  	_ =	shalt  }
0x66: {  	_ =	shalt  }
0x67: {  	_ =	shalt  }
0x68: {  	_ =	shalt  }
0x69: {  	_ =	shalt  }
0x6a: {  	_ =	shalt  }
0x6b: {  	_ =	shalt  }
0x6c: {  	_ =	shalt  }
0x6d: {  	_ =	shalt  }
0x6e: {  	_ =	shalt  }
0x6f: {  	_ =	shalt  }
0x70: {  	_ =	shalt  }
0x71: {  	_ =	shalt  }
0x72: {  	_ =	shalt  }
0x73: {  	_ =	shalt  }
0x74: {  	_ =	shalt  }
0x75: {  	_ =	shalt  }
0x76: {  	_ =	shalt  }
0x77: {  	_ =	shalt  }
0x78: {  	_ =	shalt  }
0x79: {  	_ =	shalt  }
0x7a: {  	_ =	shalt  }
0x7b: {  	_ =	shalt  }
0x7c: {  	_ =	shalt  }
0x7d: {  	_ =	shalt  }
0x7e: {  	_ =	shalt  }
0x7f: {  	_ =	shalt  }
0x80: {  	_ =	shalt  }
0x81: {  	_ =	shalt  }
0x82: {  	_ =	shalt  }
0x83: {  	_ =	shalt  }
0x84: {  	_ =	shalt  }
0x85: {  	_ =	shalt  }
0x86: {  	_ =	shalt  }
0x87: {  	_ =	shalt  }
.Lfunc_end0:
.L_simem_size_0:
called_computation_lowered:
.L_overlay_start_0:
0x88: {  	s2 =	sld [smem:$0x3FD9]  }
0x89: {  	s3 =	sld [smem:$0x3FFE];
	_ =	sdelay $0x1  }
0x8a: {  	s1 =	srdreg.scid  }
0x8b: {  	s0 =	sand.u32 $0x1, s1  }
0x8c: {  	s16 =	sshll.u32 s0, $0xA;
	s2 =	sadd.s32 s3, s2  }
0x8d: {  	s2 =	sadd.s32 s2, s16  }
0x8e: {  	[smem:$0x3FC0] =	sst s2  }
0x8f: {  	_ = 	snop  }
0x90: {  	(tm) =	ssettm $0x1  }
0x91: {  	s17 =	sld [smem:$0x3FFB];
	_ =	sdelay $0x3  }
0x92: {  	_ =	strace s17  }
0x93: {  	s2 =	sld [smem:$0x3FFC];
	_ =	sdelay $0x3  }
0x94: {  	_ =	strace s2  }
0x95: {  	s2 =	sld [smem:$0x3FFD];
	_ =	sdelay $0x3  }
0x96: {  	_ =	strace s2  }
0x97: {  	_ =	strace $0x8FFFFFFF  }
0x98: {  	s18 =	sld [smem:$0x3FDB];
	_ =	sdelay $0x1  }
0x99: {  	s19 =	simm.s32 $_scs_section_size  }
0x9a: {  	s4 =	simm.s32 $_size__tile_overlayer_lowered;
	s5 =	simm.s32 $_tile_overlayer_lowered  }
0x9b: {  	s22 =	simm.s32 $0x1BFF;
	s21 =	sshll.u32 s5, $0x1;
	s2 =	sadd.s32 s19, s18  }
0x9c: {  	s6 =	simm.s32 $0x0;
	s20 =	sshll.u32 s4, $0x1;
	s4 =	sadd.s32 s21, s2  }
0x9d: {  	[timem:s6], [sflag:s22] =	dma.local [hbm:s4], s20  }
0x9e: {  	_ =	swait.ge [sflag:s22], s20  }
0x9f: {  	s3 =	ssub.s32 $0x0, s20;
	[sflag:s22] =	ssyncset.done $0x0  }
0xa0: {  	[sflag:s22] =	ssyncadd.s32 s3;
	_ =	sdelay $0x1  }
0xa1: {  	s23 =	simm.s32 $0x1B8B  }
0xa2: {  	_ =	swait.ge [sflag:s23], $0x1  }
0xa3: {  	[sflag:s23] =	ssyncset.done $0x0  }
0xa4: {  	s25 =	simm.s32 $0x1B8E;
	s24 =	sld [smem:$0x3FFE];
	[sflag:s23] =	ssyncadd.s32 $0xFFFFFFFF  }
0xa5: {  	s26 =	simm.s32 $execute0_lowered;
	[smem:$0x3FD2] =	sst s25  }
0xa6: {  	s4 =	sshll.u32 s26, $0x1;
	_ =	strace $0x80000046;
	[dreg:$0x1] =	wrdreg $0xFFFFFFFF  }
0xa7: {  	s28 =	simm.s32 $_size_execute0_lowered;
	s2 =	sadd.s32 s2, s4;
	[dreg:$0x0] =	wrdreg $0x0  }
0xa8: {  	s4 =	sshll.u32 s28, $0x1;
	[dreg:$0x2] =	wrdreg s2  }
0xa9: {  	[dreg:$0x3] =	wrdreg s4  }
0xaa: {  	[dreg:$0x4] =	wrdreg $0xC0  }
0xab: {  	_ =	task [dreg:s6], $0x5FFFF  }
0xac: {  	[dreg:$0x1] =	wrdreg $0xFFFFFFFF  }
0xad: {  	[dreg:$0x0] =	wrdreg $0x60  }
0xae: {  	[dreg:$0x2] =	wrdreg s24  }
0xaf: {  	[dreg:$0x3] =	wrdreg $0x9  }
0xb0: {  	_ =	task.clear_ibuf [dreg:s6], $0x4FFFF;
	_ =	strace $0x90000046  }
0xb1: {  	s29 =	simm.s32 $0x9;
	_ =	strace $0x80000048  }
0xb2: {  	_ =	swait.ge [sflag:s29], $0x1  }
0xb3: {  	[sflag:s29] =	ssyncadd.s32 $0xFFFFFFFF  }
0xb4: {  	_ =	strace $0x90000048  }
0xb5: {  	_ =	sfence  }
0xb6: {  	s30 =	sld [smem:$0x0];
	_ =	sdelay $0x2  }
0xb7: {  	s31 =	sshll.u32 s1, $0xD;
	s1 =	sshrl.u32 s1, $0x2  }
0xb8: {  	s3 =	sand.u32 $0x4000, s31;
	s1 =	sadd.s32 s1, s30  }
0xb9: {  	s0 =	sor.u32 s3, s0;
	s1 =	sshll.u32 s1, $0x11  }
0xba: {  	s0 =	sor.u32 s1, s0  }
0xbb: {  	s0 =	sadd.s32 $0x8F2B, s0  }
0xbc: {  	[sflag:s0] =	ssyncadd.remote.s32 $0x1  }
0xbd: {  	_ =	sfence.sel $0xFFFF  }
0xbe: {  	[dreg:$0x0] =	wrdreg $0xFFFFFFFF;
	(pc) =	sbr.abs _section_cstart, $3  }
0xbf: {  	[dreg:$0x1] =	wrdreg $0xFFFFFFFF  }
0xc0: {  	_ =	task.clear_ibuf [dreg:s6], $0x2FFFF;
	_ =	strace $0x9FFFFFFF  }
0xc1: {  	(tm) =	ssettm $0x7FFFFFFF  }
tec
execute0_lowered:
.L_overlay_start_1:
0x0: {  	(tag) =	ssettag $0x1  }
0x1: {  	s1 =	srdreg.scid;
	s0 =	stileid.u32  }
0x2: {  	s20 =	sand.u32 $0x1, s1;
	s30 =	sshll.u32 s0, $0x1  }
0x3: {  	s16 =	rddreg [dreg:$0x0];
	s17 =	sor.u32 s20, s30  }
0x4: {  	s2 =	simm.s32 $0x0;
	s1 =	rddreg [dreg:$0x1];
	s3 =	sshll.u32 s17, $0x6  }
0x5: {  	[smem:$0x7FF] =	sst s2;
	s5 =	sadd.s32 s3, s16  }
0x6: {  	_ =	strace $0x80000047;
	s3 =	simm.s32 $0x2;
	s4 =	sadd.s32 $0x2A00, s5  }
0x7: {  	[tilespmem:s2], [sflag:$0x2] =	stream.linear.gather [hbm4b:s4+s2], $0x200, $0x38;
	[tilespmem:$0x10400] =	vst v63  }
0x8: {  	_ =	swait.ge [sflag:s3], $0x200  }
0x9: {  	[sflag:s3] =	ssyncset.done $0x0  }
0xa: {  	s6 =	simm.s32 $0x200;
	s5 =	sadd.s32 $0x4200, s5;
	[sflag:s3] =	ssyncadd.s32 $0xFFFFFE00  }
0xb: {  	[tilespmem:s6], [sflag:$0x2] =	stream.linear.gather [hbm4b:s5+s2], $0x200, $0x38;
	[tilespmem:$0x10400] =	vst v63  }
0xc: {  	_ =	swait.ge [sflag:s3], $0x200  }
0xd: {  	s8 =	simm.s32 $0x80;
	[sflag:s3] =	ssyncset.done $0x0  }
0xe: {  	s9 =	simm.s32 $0x400;
	s7 =	sadd.s32 $0x4A00, s16;
	[sflag:s3] =	ssyncadd.s32 $0xFFFFFE00  }
0xf: {  	[tilespmem:s9], [sflag:$0x1] =	stream.indirect.gather [hbm4b:s7+s8], $0x80, s2, s8, $0xb8;
	[tilespmem:$0x10400] =	vst v63  }
0x10: {  	s10 =	simm.s32 $0x4400  }
0x11: {  	[tilespmem:s10], [sflag:$0x1] =	stream.indirect.gather [hbm4b:s7+s8], $0x80, s8, s8, $0xb8;
	[tilespmem:$0x10400] =	vst v63  }
0x12: {  	s11 =	simm.s32 $0x100;
	s12 =	simm.s32 $0x8400  }
0x13: {  	[tilespmem:s12], [sflag:$0x1] =	stream.indirect.gather [hbm4b:s7+s8], $0x80, s11, s8, $0xb8;
	[tilespmem:$0x10400] =	vst v63  }
0x14: {  	s13 =	simm.s32 $0x180;
	s14 =	simm.s32 $0xC400;
	s15 =	simm.s32 $0x1  }
0x15: {  	[tilespmem:s14], [sflag:$0x1] =	stream.indirect.gather [hbm4b:s7+s8], $0x80, s13, s8, $0xb8;
	[tilespmem:$0x10400] =	vst v63  }
0x16: {  	_ =	swait.ge [sflag:s15], $0x4000  }
0x17: {  	[sflag:s15] =	ssyncset.done $0x0  }
0x18: {  	[sflag:s15] =	ssyncadd.s32 $0xFFFFC000  }
0x19: {  	_ =	swait.ge [sflag:s15], $0x4000  }
0x1a: {  	[sflag:s15] =	ssyncset.done $0x0  }
0x1b: {  	[sflag:s15] =	ssyncadd.s32 $0xFFFFC000  }
0x1c: {  	_ =	swait.ge [sflag:s15], $0x4000  }
0x1d: {  	[sflag:s15] =	ssyncset.done $0x0  }
0x1e: {  	[sflag:s15] =	ssyncadd.s32 $0xFFFFC000  }
0x1f: {  	s17 =	sshll.u32 s17, $0xD;
	_ =	swait.ge [sflag:s15], $0x4000  }
0x20: {  	s21 =	sadd.s32 s17, s16;
	[sflag:s15] =	ssyncset.done $0x0  }
0x21: {  	s16 =	sadd.s32 $0x3E4A00, s21;
	[sflag:s15] =	ssyncadd.s32 $0xFFFFC000  }
0x22: {  	[hbm4b:s16+s2] =	stream.linear.scatter [tilespmem:s9], [sflag:$0x2], $0x10000, $0x38;
	[tilespmem:$0x10400] =	vst v63  }
0x23: {  	_ =	swait.ge [sflag:s3], $0x10000  }
0x24: {  	[sflag:s3] =	ssyncset.done $0x0  }
0x25: {  	[sflag:s3] =	ssyncadd.s32 $0xFFFF0000  }
0x26: {  	[tilespmem:s9], [sflag:$0x1] =	stream.indirect.gather [hbm4b:s7+s8], $0x80, s6, s8, $0xb8;
	[tilespmem:$0x10400] =	vst v63  }
0x27: {  	s17 =	simm.s32 $0x280  }
0x28: {  	[tilespmem:s10], [sflag:$0x1] =	stream.indirect.gather [hbm4b:s7+s8], $0x80, s17, s8, $0xb8;
	[tilespmem:$0x10400] =	vst v63  }
0x29: {  	s18 =	simm.s32 $0x300  }
0x2a: {  	[tilespmem:s12], [sflag:$0x1] =	stream.indirect.gather [hbm4b:s7+s8], $0x80, s18, s8, $0xb8;
	[tilespmem:$0x10400] =	vst v63  }
0x2b: {  	s19 =	simm.s32 $0x380  }
0x2c: {  	[tilespmem:s14], [sflag:$0x1] =	stream.indirect.gather [hbm4b:s7+s8], $0x80, s19, s8, $0xb8;
	[tilespmem:$0x10400] =	vst v63  }
0x2d: {  	_ =	swait.ge [sflag:s15], $0x4000  }
0x2e: {  	[sflag:s15] =	ssyncset.done $0x0  }
0x2f: {  	[sflag:s15] =	ssyncadd.s32 $0xFFFFC000  }
0x30: {  	_ =	swait.ge [sflag:s15], $0x4000  }
0x31: {  	[sflag:s15] =	ssyncset.done $0x0  }
0x32: {  	s20 =	ssub.s32 $0x2, s20;
	[sflag:s15] =	ssyncadd.s32 $0xFFFFC000  }
0x33: {  	s22 =	sshrl.u32 s20, $0x1;
	_ =	swait.ge [sflag:s15], $0x4000  }
0x34: {  	s22 =	ssub.s32 s20, s22;
	[sflag:s15] =	ssyncset.done $0x0  }
0x35: {  	s31 =	smax.u32 s22, $0x1;
	[sflag:s15] =	ssyncadd.s32 $0xFFFFC000  }
0x36: {  	p0 =	sne.s32 s31, $0x1;
	_ =	swait.ge [sflag:s15], $0x4000  }
.Ltmp0:
0x37: {  	[sflag:s15] =	ssyncset.done $0x0;
	(pc) =	sbr.rel @!p0 .LBB2_2-.Ltmp0, $4  }
0x38: {  	s20 =	sadd.s32 $0x424A00, s21;
	[sflag:s15] =	ssyncadd.s32 $0xFFFFC000  }
0x39: {  	[hbm4b:s20+s2] =	stream.linear.scatter [tilespmem:s9], [sflag:$0x2], $0x10000, $0x38;
	[tilespmem:$0x10400] =	vst v63  }
0x3a: {  	_ =	swait.ge [sflag:s3], $0x10000  }
0x3b: {  	s21 =	sadd.s32 $0xFFFFFFFF, s31;
	[sflag:s3] =	ssyncset.done $0x0  }
.LBB2_1:
0x3c: {  	p0 =	sne.s32 s21, $0x1;
	s21 =	sadd.s32 $0xFFFFFFFF, s21;
	[sflag:s3] =	ssyncadd.s32 $0xFFFF0000  }
0x3d: {  	[tilespmem:s2], [sflag:$0x2] =	stream.linear.gather [hbm4b:s4+s2], $0x200, $0x38;
	[tilespmem:$0x10400] =	vst v63  }
0x3e: {  	_ =	swait.ge [sflag:s3], $0x200  }
0x3f: {  	[sflag:s3] =	ssyncset.done $0x0  }
0x40: {  	[sflag:s3] =	ssyncadd.s32 $0xFFFFFE00  }
0x41: {  	[tilespmem:s6], [sflag:$0x2] =	stream.linear.gather [hbm4b:s5+s2], $0x200, $0x38;
	[tilespmem:$0x10400] =	vst v63  }
0x42: {  	_ =	swait.ge [sflag:s3], $0x200  }
0x43: {  	[sflag:s3] =	ssyncset.done $0x0  }
0x44: {  	[sflag:s3] =	ssyncadd.s32 $0xFFFFFE00  }
0x45: {  	[tilespmem:s9], [sflag:$0x1] =	stream.indirect.gather [hbm4b:s7+s8], $0x80, s2, s8, $0xb8;
	[tilespmem:$0x10400] =	vst v63  }
0x46: {  	_ = 	snop  }
0x47: {  	[tilespmem:s10], [sflag:$0x1] =	stream.indirect.gather [hbm4b:s7+s8], $0x80, s8, s8, $0xb8;
	[tilespmem:$0x10400] =	vst v63  }
0x48: {  	_ = 	snop  }
0x49: {  	[tilespmem:s12], [sflag:$0x1] =	stream.indirect.gather [hbm4b:s7+s8], $0x80, s11, s8, $0xb8;
	[tilespmem:$0x10400] =	vst v63  }
0x4a: {  	_ = 	snop  }
0x4b: {  	[tilespmem:s14], [sflag:$0x1] =	stream.indirect.gather [hbm4b:s7+s8], $0x80, s13, s8, $0xb8;
	[tilespmem:$0x10400] =	vst v63  }
0x4c: {  	_ =	swait.ge [sflag:s15], $0x4000  }
0x4d: {  	[sflag:s15] =	ssyncset.done $0x0  }
0x4e: {  	[sflag:s15] =	ssyncadd.s32 $0xFFFFC000  }
0x4f: {  	_ =	swait.ge [sflag:s15], $0x4000  }
0x50: {  	[sflag:s15] =	ssyncset.done $0x0  }
0x51: {  	[sflag:s15] =	ssyncadd.s32 $0xFFFFC000  }
0x52: {  	_ =	swait.ge [sflag:s15], $0x4000  }
0x53: {  	[sflag:s15] =	ssyncset.done $0x0  }
0x54: {  	[sflag:s15] =	ssyncadd.s32 $0xFFFFC000  }
0x55: {  	_ =	swait.ge [sflag:s15], $0x4000  }
0x56: {  	[sflag:s15] =	ssyncset.done $0x0  }
0x57: {  	[sflag:s15] =	ssyncadd.s32 $0xFFFFC000  }
0x58: {  	[hbm4b:s16+s2] =	stream.linear.scatter [tilespmem:s9], [sflag:$0x2], $0x10000, $0x38;
	[tilespmem:$0x10400] =	vst v63  }
0x59: {  	_ =	swait.ge [sflag:s3], $0x10000  }
0x5a: {  	[sflag:s3] =	ssyncset.done $0x0  }
0x5b: {  	[sflag:s3] =	ssyncadd.s32 $0xFFFF0000  }
0x5c: {  	[tilespmem:s9], [sflag:$0x1] =	stream.indirect.gather [hbm4b:s7+s8], $0x80, s6, s8, $0xb8;
	[tilespmem:$0x10400] =	vst v63  }
0x5d: {  	_ = 	snop  }
0x5e: {  	[tilespmem:s10], [sflag:$0x1] =	stream.indirect.gather [hbm4b:s7+s8], $0x80, s17, s8, $0xb8;
	[tilespmem:$0x10400] =	vst v63  }
0x5f: {  	_ = 	snop  }
0x60: {  	[tilespmem:s12], [sflag:$0x1] =	stream.indirect.gather [hbm4b:s7+s8], $0x80, s18, s8, $0xb8;
	[tilespmem:$0x10400] =	vst v63  }
0x61: {  	_ = 	snop  }
0x62: {  	[tilespmem:s14], [sflag:$0x1] =	stream.indirect.gather [hbm4b:s7+s8], $0x80, s19, s8, $0xb8;
	[tilespmem:$0x10400] =	vst v63  }
0x63: {  	_ =	swait.ge [sflag:s15], $0x4000  }
0x64: {  	[sflag:s15] =	ssyncset.done $0x0  }
0x65: {  	[sflag:s15] =	ssyncadd.s32 $0xFFFFC000  }
0x66: {  	_ =	swait.ge [sflag:s15], $0x4000  }
0x67: {  	[sflag:s15] =	ssyncset.done $0x0  }
0x68: {  	[sflag:s15] =	ssyncadd.s32 $0xFFFFC000  }
0x69: {  	_ =	swait.ge [sflag:s15], $0x4000  }
0x6a: {  	[sflag:s15] =	ssyncset.done $0x0  }
0x6b: {  	[sflag:s15] =	ssyncadd.s32 $0xFFFFC000  }
0x6c: {  	_ =	swait.ge [sflag:s15], $0x4000  }
.Ltmp1:
0x6d: {  	[sflag:s15] =	ssyncset.done $0x0;
	(pc) =	sbr.rel @p0 .LBB2_1-.Ltmp1, $4  }
0x6e: {  	[sflag:s15] =	ssyncadd.s32 $0xFFFFC000  }
0x6f: {  	[hbm4b:s20+s2] =	stream.linear.scatter [tilespmem:s9], [sflag:$0x2], $0x10000, $0x38;
	[tilespmem:$0x10400] =	vst v63  }
0x70: {  	_ =	swait.ge [sflag:s3], $0x10000  }
0x71: {  	[sflag:s3] =	ssyncset.done $0x0  }
.LBB2_2:
0x72: {  	[sflag:s3] =	ssyncadd.s32 $0xFFFF0000  }
0x73: {  	_ =	sfence.sel $0x180000  }
0x74: {  	[bflag:$0x0] =	sbarrier.arrive $0xFFFF  }
0x75: {  	p0 =	sne.s32 s0, $0x0;
	_ =	strace $0x90000047  }
0x76: {  	s0 =	sadd.s32 @!p0 $0x100000, s1;
	[bflag:$0x2] =	sbarrier.arrive $0xFFFF  }
0x77: {  	[sflag:s0] =	ssyncadd.tile.s32 @!p0 $0x1;
	_ =	shalt  }
.Lfunc_end2:
_tile_overlayer_lowered:
.L_overlay_start_2:
0x78: {  	(tag) =	ssettag $0x2  }
0x79: {  	s0 =	rddreg [dreg:$0x0];
	s2 =	stileid.u32  }
0x7a: {  	s1 =	rddreg [dreg:$0x1];
	p0 =	sne.s32 s2, $0x0  }
0x7b: {  	s3 =	rddreg [dreg:$0x2];
	[bflag:$0x3] =	sbarrier.arrive $0xFFFF;
	s2 =	simm.s32 @!p0 $0x1C02  }
0x7c: {  	[timem:s3], [sflag:s2] =	dma.local @!p0 [hbm:s0], s1  }
0x7d: {  	s0 =	simm.s32 @!p0 $0x2  }
0x7e: {  	_ =	swait.ge @!p0 [sflag:s0], s1  }
0x7f: {  	s1 =	ssub.s32 @!p0 $0x0, s1;
	[sflag:s0] =	ssyncset.done @!p0 $0x0  }
0x80: {  	[sflag:s0] =	ssyncadd.s32 @!p0 s1  }
0x81: {  	[bflag:$0x3] =	sbarrier.arrive $0xFFFF  }
0x82: {  	_ =	shalt  }

</sc_bundles>
